<compile_context>
chip_gen: v7x
topology: tpu7x:2x2x1
jax: 0.10.2.dev20260603
libtpu: 0.0.44.dev20260713+nightly
codegen_flags: <defaults>
</compile_context>

<pallas_src>
import jax
import jax.numpy as jnp
from jax import lax
from jax.experimental import pallas as pl
from jax.experimental.pallas import tpu as pltpu
from jax.experimental.pallas import tpu_sc as plsc

VOCAB = 1000000
EMBED_DIM = 64
NUM_CLASSES = 2
BATCH = 4096
HIST = 200

NC = 2
NS = 16
NW = NC * NS
ROWS_PER_W = BATCH // NW
CH = (104, 96)
CHOFF = (0, 104)
CHMAX = 104
CHUNKS_PER_ROW = 2
NCHUNKS = ROWS_PER_W * CHUNKS_PER_ROW
D16 = EMBED_DIM // 16
NBUF = 4


def _sc_body(table_hbm, x_hbm, wt_hbm, b_hbm, out_hbm,
             idx_v, bufs, wt_v, b_v, out_v, sems):
    cid = lax.axis_index("c")
    sid = lax.axis_index("s")
    wid = sid * NC + cid

    pltpu.sync_copy(x_hbm.at[pl.ds(wid * ROWS_PER_W, ROWS_PER_W)], idx_v)
    pltpu.sync_copy(wt_hbm, wt_v)
    pltpu.sync_copy(b_hbm, b_v)

    lane = lax.broadcasted_iota(jnp.int32, (16,), 0)
    zero = jnp.zeros((16,), jnp.float32)
    b_vec = b_v[...]
    wvecs = tuple(wt_v[c, pl.ds(k * 16, 16)]
                  for c in range(NUM_CLASSES) for k in range(D16))
    inv_l = jnp.float32(1.0 / HIST)

    def fire(slot, row, half):
        n = CH[half]
        idx = idx_v.at[row, pl.ds(CHOFF[half], n)]
        return pltpu.async_copy(table_hbm.at[idx],
                                bufs.at[slot, pl.ds(0, n)],
                                sems.at[slot])

    def wait(slot, half):
        n = CH[half]
        pltpu.make_async_copy(table_hbm.at[idx_v.at[0, pl.ds(0, n)]],
                              bufs.at[slot, pl.ds(0, n)], sems.at[slot]).wait()

    def reduce_buf(slot, half, acc):
        buf = bufs.at[slot]

        @plsc.parallel_loop(0, CH[half], step=1, unroll=4, carry=acc)
        def body(r, a):
            return tuple(a[k] + buf[r, pl.ds(k * 16, 16)] for k in range(D16))

        return body

    def finalize(row, acc):
        out_row = b_vec
        for c in range(NUM_CLASSES):
            s = jnp.float32(0.0)
            for k in range(D16):
                s = s + jnp.sum(acc[k] * wvecs[c * D16 + k])
            out_row = out_row + jnp.where(lane == c, s * inv_l, 0.0)
        out_v[row] = out_row

    for b in range(NBUF):
        fire(b, b // 2, b % 2)

    @pl.loop(0, NCHUNKS - NBUF, step=NBUF)
    def _(g):
        row = g >> 1
        for b in range(NBUF):
            wait(b, b % 2)
            acc = (zero,) * D16 if b % 2 == 0 else acc2
            acc2 = reduce_buf(b, b % 2, acc)
            nxt = g + b + NBUF
            fire(b, nxt >> 1, b % 2)
            if b % 2 == 1:
                finalize(row + b // 2, acc2)

    for b in range(NBUF):
        j = NCHUNKS - NBUF + b
        wait(b, b % 2)
        acc = (zero,) * D16 if b % 2 == 0 else acc2
        acc2 = reduce_buf(b, b % 2, acc)
        if b % 2 == 1:
            finalize(j // 2, acc2)

    pltpu.sync_copy(out_v, out_hbm.at[pl.ds(wid * ROWS_PER_W, ROWS_PER_W)])


_sc_call = pl.kernel(
    _sc_body,
    out_type=jax.ShapeDtypeStruct((BATCH, 16), jnp.float32),
    mesh=plsc.VectorSubcoreMesh(core_axis_name="c", subcore_axis_name="s"),
    scratch_types=[
        pltpu.VMEM((ROWS_PER_W, HIST), jnp.int32),
        pltpu.VMEM((NBUF, CHMAX, EMBED_DIM), jnp.float32),
        pltpu.VMEM((NUM_CLASSES, EMBED_DIM), jnp.float32),
        pltpu.VMEM((16,), jnp.float32),
        pltpu.VMEM((ROWS_PER_W, 16), jnp.float32),
        pltpu.SemaphoreType.DMA((NBUF,)),
    ],
    compiler_params=pltpu.CompilerParams(
        needs_layout_passes=False, use_tc_tiling_on_sc=False),
)


@jax.jit
def kernel(x, table, W, b):
    wt = W.T.astype(jnp.float32)
    b_pad = jnp.pad(b.astype(jnp.float32), (0, 16 - NUM_CLASSES))
    out16 = _sc_call(table, x.astype(jnp.int32), wt, b_pad)
    return out16[:, :NUM_CLASSES]

# --- scband reference (transcript-rebuilt; emitter-appended) ---
"""Pipeline reference for scband-base-model-5677946765779 (READ-ONLY COPY).

The authoritative reference and input builder live on the scoring server;
editing this copy changes nothing except your own understanding.
"""

import jax, jax.numpy as jnp
import numpy as np

VOCAB = 1000000
EMBED_DIM = 64
HIDDEN_DIM = 64
NUM_CLASSES = 2
BATCH = 4096
HIST = 200

def setup_inputs(seed: int = 0) -> dict:
    key = jax.random.key(seed)
    k1, k2, k3, k4 = jax.random.split(key, 4)
    x = jax.random.randint(k1, (BATCH, HIST), 0, VOCAB, dtype=jnp.int64 if jax.config.jax_enable_x64 else jnp.int32)
    table = jax.random.normal(k2, (VOCAB, EMBED_DIM), dtype=jnp.float32)
    # nn.Linear(hidden_dim, num_classes): W is [num_classes, hidden_dim] in torch; store transposed
    bound = 1.0 / np.sqrt(HIDDEN_DIM)
    W = jax.random.uniform(k3, (HIDDEN_DIM, NUM_CLASSES), minval=-bound, maxval=bound, dtype=jnp.float32)
    b = jax.random.uniform(k4, (NUM_CLASSES,), minval=-bound, maxval=bound, dtype=jnp.float32)
    return {"x": x, "table": table, "W": W, "b": b}

def reference(x, table, W, b):
    embed = jnp.take(table, x, axis=0)           # [B, L, D] gather
    avg_embed = jnp.mean(embed, axis=1)          # [B, D]
    out = avg_embed @ W + b                      # [B, C]
    return out

if __name__ == "__main__":
    import jax
    _d = setup_inputs()
    print(jax.jit(kernel)(*tuple(_d.values())))

</pallas_src>

<mosaic_0001>
#map = affine_map<(d0, d1) -> (0, 0)>
#map1 = affine_map<(d0, d1) -> (0)>
module attributes {stable_mosaic.version = 14 : i64} {
  func.func @_sc_body(%arg0: i32, %arg1: i32, %arg2: memref<1000000x64xf32, #tpu.memory_space<hbm>>, %arg3: memref<4096x200xi32, #tpu.memory_space<hbm>>, %arg4: memref<2x64xf32, #tpu.memory_space<hbm>>, %arg5: memref<16xf32, #tpu.memory_space<hbm>>, %arg6: memref<4096x16xf32, #tpu.memory_space<hbm>>, %arg7: memref<128x200xi32, #tpu.memory_space<vmem>>, %arg8: memref<4x104x64xf32, #tpu.memory_space<vmem>>, %arg9: memref<2x64xf32, #tpu.memory_space<vmem>>, %arg10: memref<16xf32, #tpu.memory_space<vmem>>, %arg11: memref<128x16xf32, #tpu.memory_space<vmem>>, %arg12: memref<4x!tpu.dma_semaphore, #tpu.memory_space<semaphore_mem>>) attributes {dimension_semantics = [#tpu.dimension_semantics<core_parallel>, #tpu.dimension_semantics<subcore_parallel>], iteration_bounds = array<i64: 2, 16>, scalar_prefetch = 0 : i64, scratch_operands = 6 : i64, tpu.core_type = #tpu.core_type<sc_vector_subcore>, window_params = [{transform_indices = #map}, {transform_indices = #map}, {transform_indices = #map}, {transform_indices = #map1}, {transform_indices = #map}]} {
    %mul3A = arith.constant 2 : i32
    %mul3A_0 = arith.muli %arg1, %mul3A : i32
    %add3A = arith.addi %mul3A_0, %arg0 : i32
    %mul3A_1 = arith.constant 128 : i32
    %mul3A_2 = arith.muli %add3A, %mul3A_1 : i32
    "tpu.region"() ({
      %run_scoped3A = tpu.sem_alloc : memref<!tpu.dma_semaphore, #tpu.memory_space<semaphore_mem>>
      %dma_start3A_324 = arith.constant 0 : i32
      %dma_start3A_325 = tpu.memref_slice %arg3[%mul3A_2, %dma_start3A_324] : memref<4096x200xi32, #tpu.memory_space<hbm>> -> memref<128x200xi32, #tpu.memory_space<hbm>>
      %dma_start3A_326 = arith.constant 0 : i32
      %dma_start3A_327 = tpu.memref_slice %arg3[%mul3A_2, %dma_start3A_326] : memref<4096x200xi32, #tpu.memory_space<hbm>> -> memref<128x200xi32, #tpu.memory_space<hbm>>
      tpu.enqueue_dma source(%dma_start3A_327 : memref<128x200xi32, #tpu.memory_space<hbm>>) target(%arg7 : memref<128x200xi32, #tpu.memory_space<vmem>>) target_semaphore(%run_scoped3A : memref<!tpu.dma_semaphore, #tpu.memory_space<semaphore_mem>>)
      %dma_wait3A_328 = arith.constant 0 : i32
      %dma_wait3A_329 = tpu.memref_slice %arg3[%mul3A_2, %dma_wait3A_328] : memref<4096x200xi32, #tpu.memory_space<hbm>> -> memref<128x200xi32, #tpu.memory_space<hbm>>
      %dma_wait3A_330 = arith.constant 0 : i32
      %dma_wait3A_331 = tpu.memref_slice %arg3[%mul3A_2, %dma_wait3A_330] : memref<4096x200xi32, #tpu.memory_space<hbm>> -> memref<128x200xi32, #tpu.memory_space<hbm>>
      tpu.wait_dma2 semaphore(%run_scoped3A : memref<!tpu.dma_semaphore, #tpu.memory_space<semaphore_mem>>) src(%dma_wait3A_331 : memref<128x200xi32, #tpu.memory_space<hbm>>) dst(%arg7 : memref<128x200xi32, #tpu.memory_space<vmem>>)
      tpu.yield
    }) : () -> ()
    "tpu.region"() ({
      %run_scoped3A = tpu.sem_alloc : memref<!tpu.dma_semaphore, #tpu.memory_space<semaphore_mem>>
      tpu.enqueue_dma source(%arg4 : memref<2x64xf32, #tpu.memory_space<hbm>>) target(%arg9 : memref<2x64xf32, #tpu.memory_space<vmem>>) target_semaphore(%run_scoped3A : memref<!tpu.dma_semaphore, #tpu.memory_space<semaphore_mem>>)
      tpu.wait_dma2 semaphore(%run_scoped3A : memref<!tpu.dma_semaphore, #tpu.memory_space<semaphore_mem>>) src(%arg4 : memref<2x64xf32, #tpu.memory_space<hbm>>) dst(%arg9 : memref<2x64xf32, #tpu.memory_space<vmem>>)
      tpu.yield
    }) : () -> ()
    "tpu.region"() ({
      %run_scoped3A = tpu.sem_alloc : memref<!tpu.dma_semaphore, #tpu.memory_space<semaphore_mem>>
      tpu.enqueue_dma source(%arg5 : memref<16xf32, #tpu.memory_space<hbm>>) target(%arg10 : memref<16xf32, #tpu.memory_space<vmem>>) target_semaphore(%run_scoped3A : memref<!tpu.dma_semaphore, #tpu.memory_space<semaphore_mem>>)
      tpu.wait_dma2 semaphore(%run_scoped3A : memref<!tpu.dma_semaphore, #tpu.memory_space<semaphore_mem>>) src(%arg5 : memref<16xf32, #tpu.memory_space<hbm>>) dst(%arg10 : memref<16xf32, #tpu.memory_space<vmem>>)
      tpu.yield
    }) : () -> ()
    %iota3A = tpu.iota {dimensions = array<i32: 0>} : vector<16xi32>
    %broadcast_in_dim3A = arith.constant 0.000000e+00 : f32
    %broadcast_in_dim3A_3 = vector.broadcast %broadcast_in_dim3A : f32 to vector<16xf32>
    %get3A = arith.constant 0 : index
    %get3A_4 = tpu.vector_load %arg10[%get3A] {strides = array<i32>} : memref<16xf32, #tpu.memory_space<vmem>>, vector<16xf32>,
    %get3A_5 = arith.constant 0 : i32
    %get3A_6 = arith.index_cast %get3A_5 : i32 to index
    %get3A_7 = arith.constant 0 : index
    %get3A_8 = tpu.vector_load %arg9[%get3A_6, %get3A_7] {strides = array<i32>} : memref<2x64xf32, #tpu.memory_space<vmem>>, vector<16xf32>,
    %get3A_9 = arith.constant 0 : i32
    %get3A_10 = arith.index_cast %get3A_9 : i32 to index
    %get3A_11 = arith.constant 16 : index
    %get3A_12 = tpu.vector_load %arg9[%get3A_10, %get3A_11] {strides = array<i32>} : memref<2x64xf32, #tpu.memory_space<vmem>>, vector<16xf32>,
    %get3A_13 = arith.constant 0 : i32
    %get3A_14 = arith.index_cast %get3A_13 : i32 to index
    %get3A_15 = arith.constant 32 : index
    %get3A_16 = tpu.vector_load %arg9[%get3A_14, %get3A_15] {strides = array<i32>} : memref<2x64xf32, #tpu.memory_space<vmem>>, vector<16xf32>,
    %get3A_17 = arith.constant 0 : i32
    %get3A_18 = arith.index_cast %get3A_17 : i32 to index
    %get3A_19 = arith.constant 48 : index
    %get3A_20 = tpu.vector_load %arg9[%get3A_18, %get3A_19] {strides = array<i32>} : memref<2x64xf32, #tpu.memory_space<vmem>>, vector<16xf32>,
    %get3A_21 = arith.constant 1 : i32
    %get3A_22 = arith.index_cast %get3A_21 : i32 to index
    %get3A_23 = arith.constant 0 : index
    %get3A_24 = tpu.vector_load %arg9[%get3A_22, %get3A_23] {strides = array<i32>} : memref<2x64xf32, #tpu.memory_space<vmem>>, vector<16xf32>,
    %get3A_25 = arith.constant 1 : i32
    %get3A_26 = arith.index_cast %get3A_25 : i32 to index
    %get3A_27 = arith.constant 16 : index
    %get3A_28 = tpu.vector_load %arg9[%get3A_26, %get3A_27] {strides = array<i32>} : memref<2x64xf32, #tpu.memory_space<vmem>>, vector<16xf32>,
    %get3A_29 = arith.constant 1 : i32
    %get3A_30 = arith.index_cast %get3A_29 : i32 to index
    %get3A_31 = arith.constant 32 : index
    %get3A_32 = tpu.vector_load %arg9[%get3A_30, %get3A_31] {strides = array<i32>} : memref<2x64xf32, #tpu.memory_space<vmem>>, vector<16xf32>,
    %get3A_33 = arith.constant 1 : i32
    %get3A_34 = arith.index_cast %get3A_33 : i32 to index
    %get3A_35 = arith.constant 48 : index
    %get3A_36 = tpu.vector_load %arg9[%get3A_34, %get3A_35] {strides = array<i32>} : memref<2x64xf32, #tpu.memory_space<vmem>>, vector<16xf32>,
    %dma_start3A = arith.constant 0 : i32
    %dma_start3A_37 = arith.constant 0 : i32
    %dma_start3A_38 = arith.constant 0 : i32
    %dma_start3A_39 = arith.constant 0 : i32
    %dma_start3A_40 = arith.constant 0 : i32
    %dma_start3A_41 = tpu.memref_slice %arg8[%dma_start3A_37, %dma_start3A_39, %dma_start3A_40] : memref<4x104x64xf32, #tpu.memory_space<vmem>> -> memref<1x104x64xf32, #tpu.memory_space<vmem>>
    %dma_start3A_42 = tpu.memref_squeeze %dma_start3A_41 : memref<1x104x64xf32, #tpu.memory_space<vmem>> -> memref<104x64xf32, #tpu.memory_space<vmem>>
    %dma_start3A_43 = arith.constant 0 : i32
    %dma_start3A_44 = tpu.memref_slice %arg7[%dma_start3A, %dma_start3A_43] : memref<128x200xi32, #tpu.memory_space<vmem>> -> memref<1x104xi32, #tpu.memory_space<vmem>>
    %dma_start3A_45 = tpu.memref_squeeze %dma_start3A_44 : memref<1x104xi32, #tpu.memory_space<vmem>> -> memref<104xi32, #tpu.memory_space<vmem>>
    %dma_start3A_46 = arith.constant 0 : i32
    %dma_start3A_47 = arith.constant 0 : i32
    %dma_start3A_48 = tpu.memref_slice %arg2[%dma_start3A_46, %dma_start3A_47] : memref<1000000x64xf32, #tpu.memory_space<hbm>> -> memref<1000000x64xf32, #tpu.memory_space<hbm>>
    %dma_start3A_49 = tpu.memref_slice %arg12[%dma_start3A_38] : memref<4x!tpu.dma_semaphore, #tpu.memory_space<semaphore_mem>> -> memref<1x!tpu.dma_semaphore, #tpu.memory_space<semaphore_mem>>
    %dma_start3A_50 = tpu.memref_squeeze %dma_start3A_49 : memref<1x!tpu.dma_semaphore, #tpu.memory_space<semaphore_mem>> -> memref<!tpu.dma_semaphore, #tpu.memory_space<semaphore_mem>>
    tpu.enqueue_indirect_dma source(%dma_start3A_48 : memref<1000000x64xf32, #tpu.memory_space<hbm>>) target(%dma_start3A_42 : memref<104x64xf32, #tpu.memory_space<vmem>>) offsets(%dma_start3A_45 : memref<104xi32, #tpu.memory_space<vmem>>) semaphore(%dma_start3A_50 : memref<!tpu.dma_semaphore, #tpu.memory_space<semaphore_mem>>)
    %dma_start3A_51 = arith.constant 0 : i32
    %dma_start3A_52 = arith.constant 1 : i32
    %dma_start3A_53 = arith.constant 1 : i32
    %dma_start3A_54 = arith.constant 0 : i32
    %dma_start3A_55 = arith.constant 0 : i32
    %dma_start3A_56 = tpu.memref_slice %arg8[%dma_start3A_52, %dma_start3A_54, %dma_start3A_55] : memref<4x104x64xf32, #tpu.memory_space<vmem>> -> memref<1x96x64xf32, #tpu.memory_space<vmem>>
    %dma_start3A_57 = tpu.memref_squeeze %dma_start3A_56 : memref<1x96x64xf32, #tpu.memory_space<vmem>> -> memref<96x64xf32, #tpu.memory_space<vmem>>
    %dma_start3A_58 = arith.constant 104 : i32
    %dma_start3A_59 = tpu.memref_slice %arg7[%dma_start3A_51, %dma_start3A_58] : memref<128x200xi32, #tpu.memory_space<vmem>> -> memref<1x96xi32, #tpu.memory_space<vmem>>
    %dma_start3A_60 = tpu.memref_squeeze %dma_start3A_59 : memref<1x96xi32, #tpu.memory_space<vmem>> -> memref<96xi32, #tpu.memory_space<vmem>>
    %dma_start3A_61 = arith.constant 0 : i32
    %dma_start3A_62 = arith.constant 0 : i32
    %dma_start3A_63 = tpu.memref_slice %arg2[%dma_start3A_61, %dma_start3A_62] : memref<1000000x64xf32, #tpu.memory_space<hbm>> -> memref<1000000x64xf32, #tpu.memory_space<hbm>>
    %dma_start3A_64 = tpu.memref_slice %arg12[%dma_start3A_53] : memref<4x!tpu.dma_semaphore, #tpu.memory_space<semaphore_mem>> -> memref<1x!tpu.dma_semaphore, #tpu.memory_space<semaphore_mem>>
    %dma_start3A_65 = tpu.memref_squeeze %dma_start3A_64 : memref<1x!tpu.dma_semaphore, #tpu.memory_space<semaphore_mem>> -> memref<!tpu.dma_semaphore, #tpu.memory_space<semaphore_mem>>
    tpu.enqueue_indirect_dma source(%dma_start3A_63 : memref<1000000x64xf32, #tpu.memory_space<hbm>>) target(%dma_start3A_57 : memref<96x64xf32, #tpu.memory_space<vmem>>) offsets(%dma_start3A_60 : memref<96xi32, #tpu.memory_space<vmem>>) semaphore(%dma_start3A_65 : memref<!tpu.dma_semaphore, #tpu.memory_space<semaphore_mem>>)
    %dma_start3A_66 = arith.constant 1 : i32
    %dma_start3A_67 = arith.constant 2 : i32
    %dma_start3A_68 = arith.constant 2 : i32
    %dma_start3A_69 = arith.constant 0 : i32
    %dma_start3A_70 = arith.constant 0 : i32
    %dma_start3A_71 = tpu.memref_slice %arg8[%dma_start3A_67, %dma_start3A_69, %dma_start3A_70] : memref<4x104x64xf32, #tpu.memory_space<vmem>> -> memref<1x104x64xf32, #tpu.memory_space<vmem>>
    %dma_start3A_72 = tpu.memref_squeeze %dma_start3A_71 : memref<1x104x64xf32, #tpu.memory_space<vmem>> -> memref<104x64xf32, #tpu.memory_space<vmem>>
    %dma_start3A_73 = arith.constant 0 : i32
    %dma_start3A_74 = tpu.memref_slice %arg7[%dma_start3A_66, %dma_start3A_73] : memref<128x200xi32, #tpu.memory_space<vmem>> -> memref<1x104xi32, #tpu.memory_space<vmem>>
    %dma_start3A_75 = tpu.memref_squeeze %dma_start3A_74 : memref<1x104xi32, #tpu.memory_space<vmem>> -> memref<104xi32, #tpu.memory_space<vmem>>
    %dma_start3A_76 = arith.constant 0 : i32
    %dma_start3A_77 = arith.constant 0 : i32
    %dma_start3A_78 = tpu.memref_slice %arg2[%dma_start3A_76, %dma_start3A_77] : memref<1000000x64xf32, #tpu.memory_space<hbm>> -> memref<1000000x64xf32, #tpu.memory_space<hbm>>
    %dma_start3A_79 = tpu.memref_slice %arg12[%dma_start3A_68] : memref<4x!tpu.dma_semaphore, #tpu.memory_space<semaphore_mem>> -> memref<1x!tpu.dma_semaphore, #tpu.memory_space<semaphore_mem>>
    %dma_start3A_80 = tpu.memref_squeeze %dma_start3A_79 : memref<1x!tpu.dma_semaphore, #tpu.memory_space<semaphore_mem>> -> memref<!tpu.dma_semaphore, #tpu.memory_space<semaphore_mem>>
    tpu.enqueue_indirect_dma source(%dma_start3A_78 : memref<1000000x64xf32, #tpu.memory_space<hbm>>) target(%dma_start3A_72 : memref<104x64xf32, #tpu.memory_space<vmem>>) offsets(%dma_start3A_75 : memref<104xi32, #tpu.memory_space<vmem>>) semaphore(%dma_start3A_80 : memref<!tpu.dma_semaphore, #tpu.memory_space<semaphore_mem>>)
    %dma_start3A_81 = arith.constant 1 : i32
    %dma_start3A_82 = arith.constant 3 : i32
    %dma_start3A_83 = arith.constant 3 : i32
    %dma_start3A_84 = arith.constant 0 : i32
    %dma_start3A_85 = arith.constant 0 : i32
    %dma_start3A_86 = tpu.memref_slice %arg8[%dma_start3A_82, %dma_start3A_84, %dma_start3A_85] : memref<4x104x64xf32, #tpu.memory_space<vmem>> -> memref<1x96x64xf32, #tpu.memory_space<vmem>>
    %dma_start3A_87 = tpu.memref_squeeze %dma_start3A_86 : memref<1x96x64xf32, #tpu.memory_space<vmem>> -> memref<96x64xf32, #tpu.memory_space<vmem>>
    %dma_start3A_88 = arith.constant 104 : i32
    %dma_start3A_89 = tpu.memref_slice %arg7[%dma_start3A_81, %dma_start3A_88] : memref<128x200xi32, #tpu.memory_space<vmem>> -> memref<1x96xi32, #tpu.memory_space<vmem>>
    %dma_start3A_90 = tpu.memref_squeeze %dma_start3A_89 : memref<1x96xi32, #tpu.memory_space<vmem>> -> memref<96xi32, #tpu.memory_space<vmem>>
    %dma_start3A_91 = arith.constant 0 : i32
    %dma_start3A_92 = arith.constant 0 : i32
    %dma_start3A_93 = tpu.memref_slice %arg2[%dma_start3A_91, %dma_start3A_92] : memref<1000000x64xf32, #tpu.memory_space<hbm>> -> memref<1000000x64xf32, #tpu.memory_space<hbm>>
    %dma_start3A_94 = tpu.memref_slice %arg12[%dma_start3A_83] : memref<4x!tpu.dma_semaphore, #tpu.memory_space<semaphore_mem>> -> memref<1x!tpu.dma_semaphore, #tpu.memory_space<semaphore_mem>>
    %dma_start3A_95 = tpu.memref_squeeze %dma_start3A_94 : memref<1x!tpu.dma_semaphore, #tpu.memory_space<semaphore_mem>> -> memref<!tpu.dma_semaphore, #tpu.memory_space<semaphore_mem>>
    tpu.enqueue_indirect_dma source(%dma_start3A_93 : memref<1000000x64xf32, #tpu.memory_space<hbm>>) target(%dma_start3A_87 : memref<96x64xf32, #tpu.memory_space<vmem>>) offsets(%dma_start3A_90 : memref<96xi32, #tpu.memory_space<vmem>>) semaphore(%dma_start3A_95 : memref<!tpu.dma_semaphore, #tpu.memory_space<semaphore_mem>>)
    %scan3A = arith.constant 5.000000e-03 : f32
    %scan3A_96 = arith.constant 0 : i32
    %scan3A_97 = arith.constant 63 : i32
    %scan3A_98 = arith.addi %scan3A_96, %scan3A_97 : i32
    %scan3A_99 = arith.constant 1 : i32
    scf.for %scan3A_324 = %scan3A_96 to %scan3A_98 step %scan3A_99  : i32 {
      %mul3A_325 = arith.constant 4 : i32
      %mul3A_326 = arith.muli %scan3A_324, %mul3A_325 : i32
      %add3A_327 = arith.constant 0 : i32
      %add3A_328 = arith.addi %add3A_327, %mul3A_326 : i32
      %shift_right_arithmetic3A = arith.constant 1 : i32
      %shift_right_arithmetic3A_329 = arith.shrsi %add3A_328, %shift_right_arithmetic3A : i32
      %dma_wait3A_330 = arith.constant 0 : i32
      %dma_wait3A_331 = arith.constant 0 : i32
      %dma_wait3A_332 = arith.constant 0 : i32
      %dma_wait3A_333 = arith.constant 0 : i32
      %dma_wait3A_334 = arith.constant 0 : i32
      %dma_wait3A_335 = tpu.memref_slice %arg8[%dma_wait3A_331, %dma_wait3A_333, %dma_wait3A_334] : memref<4x104x64xf32, #tpu.memory_space<vmem>> -> memref<1x104x64xf32, #tpu.memory_space<vmem>>
      %dma_wait3A_336 = tpu.memref_squeeze %dma_wait3A_335 : memref<1x104x64xf32, #tpu.memory_space<vmem>> -> memref<104x64xf32, #tpu.memory_space<vmem>>
      %dma_wait3A_337 = arith.constant 0 : i32
      %dma_wait3A_338 = tpu.memref_slice %arg7[%dma_wait3A_330, %dma_wait3A_337] : memref<128x200xi32, #tpu.memory_space<vmem>> -> memref<1x104xi32, #tpu.memory_space<vmem>>
      %dma_wait3A_339 = tpu.memref_squeeze %dma_wait3A_338 : memref<1x104xi32, #tpu.memory_space<vmem>> -> memref<104xi32, #tpu.memory_space<vmem>>
      %dma_wait3A_340 = arith.constant 0 : i32
      %dma_wait3A_341 = arith.constant 0 : i32
      %dma_wait3A_342 = tpu.memref_slice %arg2[%dma_wait3A_340, %dma_wait3A_341] : memref<1000000x64xf32, #tpu.memory_space<hbm>> -> memref<1000000x64xf32, #tpu.memory_space<hbm>>
      %dma_wait3A_343 = tpu.memref_slice %arg12[%dma_wait3A_332] : memref<4x!tpu.dma_semaphore, #tpu.memory_space<semaphore_mem>> -> memref<1x!tpu.dma_semaphore, #tpu.memory_space<semaphore_mem>>
      %dma_wait3A_344 = tpu.memref_squeeze %dma_wait3A_343 : memref<1x!tpu.dma_semaphore, #tpu.memory_space<semaphore_mem>> -> memref<!tpu.dma_semaphore, #tpu.memory_space<semaphore_mem>>
      tpu.wait_indirect_dma semaphore(%dma_wait3A_344 : memref<!tpu.dma_semaphore, #tpu.memory_space<semaphore_mem>>) src(%dma_wait3A_342 : memref<1000000x64xf32, #tpu.memory_space<hbm>>) dst(%dma_wait3A_336 : memref<104x64xf32, #tpu.memory_space<vmem>>)
      %parallel_loop3A_345 = arith.constant 0 : i32
      %parallel_loop3A_346 = arith.constant 104 : i32
      %parallel_loop3A_347 = arith.constant 1 : i32
      %parallel_loop3A_348 = arith.constant 0 : i32
      %parallel_loop3A_349:4 = scf.for %parallel_loop3A_636 = %parallel_loop3A_345 to %parallel_loop3A_346 step %parallel_loop3A_347 iter_args(%parallel_loop3A_637 = %broadcast_in_dim3A_3, %parallel_loop3A_638 = %broadcast_in_dim3A_3, %parallel_loop3A_639 = %broadcast_in_dim3A_3, %parallel_loop3A_640 = %broadcast_in_dim3A_3) -> (vector<16xf32>, vector<16xf32>, vector<16xf32>, vector<16xf32>)  : i32 {
        %parallel_loop3A_641 = arith.constant 0 : i32
        %parallel_loop3A_642 = arith.constant 0 : i32
        %parallel_loop3A_643 = tpu.memref_slice %arg8[%parallel_loop3A_348, %parallel_loop3A_641, %parallel_loop3A_642] : memref<4x104x64xf32, #tpu.memory_space<vmem>> -> memref<1x104x64xf32, #tpu.memory_space<vmem>>
        %parallel_loop3A_644 = tpu.memref_squeeze %parallel_loop3A_643 : memref<1x104x64xf32, #tpu.memory_space<vmem>> -> memref<104x64xf32, #tpu.memory_space<vmem>>
        %parallel_loop3A_645 = arith.index_cast %parallel_loop3A_636 : i32 to index
        %parallel_loop3A_646 = arith.constant 0 : index
        %parallel_loop3A_647 = tpu.vector_load %parallel_loop3A_644[%parallel_loop3A_645, %parallel_loop3A_646] {strides = array<i32>} : memref<104x64xf32, #tpu.memory_space<vmem>>, vector<16xf32>,
        %parallel_loop3A_648 = arith.addf %parallel_loop3A_637, %parallel_loop3A_647 : vector<16xf32>
        %parallel_loop3A_649 = arith.constant 0 : i32
        %parallel_loop3A_650 = arith.constant 0 : i32
        %parallel_loop3A_651 = tpu.memref_slice %arg8[%parallel_loop3A_348, %parallel_loop3A_649, %parallel_loop3A_650] : memref<4x104x64xf32, #tpu.memory_space<vmem>> -> memref<1x104x64xf32, #tpu.memory_space<vmem>>
        %parallel_loop3A_652 = tpu.memref_squeeze %parallel_loop3A_651 : memref<1x104x64xf32, #tpu.memory_space<vmem>> -> memref<104x64xf32, #tpu.memory_space<vmem>>
        %parallel_loop3A_653 = arith.index_cast %parallel_loop3A_636 : i32 to index
        %parallel_loop3A_654 = arith.constant 16 : index
        %parallel_loop3A_655 = tpu.vector_load %parallel_loop3A_652[%parallel_loop3A_653, %parallel_loop3A_654] {strides = array<i32>} : memref<104x64xf32, #tpu.memory_space<vmem>>, vector<16xf32>,
        %parallel_loop3A_656 = arith.addf %parallel_loop3A_638, %parallel_loop3A_655 : vector<16xf32>
        %parallel_loop3A_657 = arith.constant 0 : i32
        %parallel_loop3A_658 = arith.constant 0 : i32
        %parallel_loop3A_659 = tpu.memref_slice %arg8[%parallel_loop3A_348, %parallel_loop3A_657, %parallel_loop3A_658] : memref<4x104x64xf32, #tpu.memory_space<vmem>> -> memref<1x104x64xf32, #tpu.memory_space<vmem>>
        %parallel_loop3A_660 = tpu.memref_squeeze %parallel_loop3A_659 : memref<1x104x64xf32, #tpu.memory_space<vmem>> -> memref<104x64xf32, #tpu.memory_space<vmem>>
        %parallel_loop3A_661 = arith.index_cast %parallel_loop3A_636 : i32 to index
        %parallel_loop3A_662 = arith.constant 32 : index
        %parallel_loop3A_663 = tpu.vector_load %parallel_loop3A_660[%parallel_loop3A_661, %parallel_loop3A_662] {strides = array<i32>} : memref<104x64xf32, #tpu.memory_space<vmem>>, vector<16xf32>,
        %parallel_loop3A_664 = arith.addf %parallel_loop3A_639, %parallel_loop3A_663 : vector<16xf32>
        %parallel_loop3A_665 = arith.constant 0 : i32
        %parallel_loop3A_666 = arith.constant 0 : i32
        %parallel_loop3A_667 = tpu.memref_slice %arg8[%parallel_loop3A_348, %parallel_loop3A_665, %parallel_loop3A_666] : memref<4x104x64xf32, #tpu.memory_space<vmem>> -> memref<1x104x64xf32, #tpu.memory_space<vmem>>
        %parallel_loop3A_668 = tpu.memref_squeeze %parallel_loop3A_667 : memref<1x104x64xf32, #tpu.memory_space<vmem>> -> memref<104x64xf32, #tpu.memory_space<vmem>>
        %parallel_loop3A_669 = arith.index_cast %parallel_loop3A_636 : i32 to index
        %parallel_loop3A_670 = arith.constant 48 : index
        %parallel_loop3A_671 = tpu.vector_load %parallel_loop3A_668[%parallel_loop3A_669, %parallel_loop3A_670] {strides = array<i32>} : memref<104x64xf32, #tpu.memory_space<vmem>>, vector<16xf32>,
        %parallel_loop3A_672 = arith.addf %parallel_loop3A_640, %parallel_loop3A_671 : vector<16xf32>
        scf.yield %parallel_loop3A_648, %parallel_loop3A_656, %parallel_loop3A_664, %parallel_loop3A_672 : vector<16xf32>, vector<16xf32>, vector<16xf32>, vector<16xf32>
      } {sc.loop_unroll_factor = 4 : i64, sc.parallel_access}
      %add3A_350 = arith.constant 0 : i32
      %add3A_351 = arith.addi %add3A_328, %add3A_350 : i32
      %add3A_352 = arith.constant 4 : i32
      %add3A_353 = arith.addi %add3A_351, %add3A_352 : i32
      %shift_right_arithmetic3A_354 = arith.constant 1 : i32
      %shift_right_arithmetic3A_355 = arith.shrsi %add3A_353, %shift_right_arithmetic3A_354 : i32
      %dma_start3A_356 = arith.constant 0 : i32
      %dma_start3A_357 = arith.constant 0 : i32
      %dma_start3A_358 = arith.constant 0 : i32
      %dma_start3A_359 = arith.constant 0 : i32
      %dma_start3A_360 = tpu.memref_slice %arg8[%dma_start3A_356, %dma_start3A_358, %dma_start3A_359] : memref<4x104x64xf32, #tpu.memory_space<vmem>> -> memref<1x104x64xf32, #tpu.memory_space<vmem>>
      %dma_start3A_361 = tpu.memref_squeeze %dma_start3A_360 : memref<1x104x64xf32, #tpu.memory_space<vmem>> -> memref<104x64xf32, #tpu.memory_space<vmem>>
      %dma_start3A_362 = arith.constant 0 : i32
      %dma_start3A_363 = tpu.memref_slice %arg7[%shift_right_arithmetic3A_355, %dma_start3A_362] : memref<128x200xi32, #tpu.memory_space<vmem>> -> memref<1x104xi32, #tpu.memory_space<vmem>>
      %dma_start3A_364 = tpu.memref_squeeze %dma_start3A_363 : memref<1x104xi32, #tpu.memory_space<vmem>> -> memref<104xi32, #tpu.memory_space<vmem>>
      %dma_start3A_365 = arith.constant 0 : i32
      %dma_start3A_366 = arith.constant 0 : i32
      %dma_start3A_367 = tpu.memref_slice %arg2[%dma_start3A_365, %dma_start3A_366] : memref<1000000x64xf32, #tpu.memory_space<hbm>> -> memref<1000000x64xf32, #tpu.memory_space<hbm>>
      %dma_start3A_368 = tpu.memref_slice %arg12[%dma_start3A_357] : memref<4x!tpu.dma_semaphore, #tpu.memory_space<semaphore_mem>> -> memref<1x!tpu.dma_semaphore, #tpu.memory_space<semaphore_mem>>
      %dma_start3A_369 = tpu.memref_squeeze %dma_start3A_368 : memref<1x!tpu.dma_semaphore, #tpu.memory_space<semaphore_mem>> -> memref<!tpu.dma_semaphore, #tpu.memory_space<semaphore_mem>>
      tpu.enqueue_indirect_dma source(%dma_start3A_367 : memref<1000000x64xf32, #tpu.memory_space<hbm>>) target(%dma_start3A_361 : memref<104x64xf32, #tpu.memory_space<vmem>>) offsets(%dma_start3A_364 : memref<104xi32, #tpu.memory_space<vmem>>) semaphore(%dma_start3A_369 : memref<!tpu.dma_semaphore, #tpu.memory_space<semaphore_mem>>)
      %dma_wait3A_370 = arith.constant 0 : i32
      %dma_wait3A_371 = arith.constant 1 : i32
      %dma_wait3A_372 = arith.constant 1 : i32
      %dma_wait3A_373 = arith.constant 0 : i32
      %dma_wait3A_374 = arith.constant 0 : i32
      %dma_wait3A_375 = tpu.memref_slice %arg8[%dma_wait3A_371, %dma_wait3A_373, %dma_wait3A_374] : memref<4x104x64xf32, #tpu.memory_space<vmem>> -> memref<1x96x64xf32, #tpu.memory_space<vmem>>
      %dma_wait3A_376 = tpu.memref_squeeze %dma_wait3A_375 : memref<1x96x64xf32, #tpu.memory_space<vmem>> -> memref<96x64xf32, #tpu.memory_space<vmem>>
      %dma_wait3A_377 = arith.constant 0 : i32
      %dma_wait3A_378 = tpu.memref_slice %arg7[%dma_wait3A_370, %dma_wait3A_377] : memref<128x200xi32, #tpu.memory_space<vmem>> -> memref<1x96xi32, #tpu.memory_space<vmem>>
      %dma_wait3A_379 = tpu.memref_squeeze %dma_wait3A_378 : memref<1x96xi32, #tpu.memory_space<vmem>> -> memref<96xi32, #tpu.memory_space<vmem>>
      %dma_wait3A_380 = arith.constant 0 : i32
      %dma_wait3A_381 = arith.constant 0 : i32
      %dma_wait3A_382 = tpu.memref_slice %arg2[%dma_wait3A_380, %dma_wait3A_381] : memref<1000000x64xf32, #tpu.memory_space<hbm>> -> memref<1000000x64xf32, #tpu.memory_space<hbm>>
      %dma_wait3A_383 = tpu.memref_slice %arg12[%dma_wait3A_372] : memref<4x!tpu.dma_semaphore, #tpu.memory_space<semaphore_mem>> -> memref<1x!tpu.dma_semaphore, #tpu.memory_space<semaphore_mem>>
      %dma_wait3A_384 = tpu.memref_squeeze %dma_wait3A_383 : memref<1x!tpu.dma_semaphore, #tpu.memory_space<semaphore_mem>> -> memref<!tpu.dma_semaphore, #tpu.memory_space<semaphore_mem>>
      tpu.wait_indirect_dma semaphore(%dma_wait3A_384 : memref<!tpu.dma_semaphore, #tpu.memory_space<semaphore_mem>>) src(%dma_wait3A_382 : memref<1000000x64xf32, #tpu.memory_space<hbm>>) dst(%dma_wait3A_376 : memref<96x64xf32, #tpu.memory_space<vmem>>)
      %parallel_loop3A_385 = arith.constant 0 : i32
      %parallel_loop3A_386 = arith.constant 96 : i32
      %parallel_loop3A_387 = arith.constant 1 : i32
      %parallel_loop3A_388 = arith.constant 1 : i32
      %parallel_loop3A_389:4 = scf.for %parallel_loop3A_636 = %parallel_loop3A_385 to %parallel_loop3A_386 step %parallel_loop3A_387 iter_args(%parallel_loop3A_637 = %parallel_loop3A_349#0, %parallel_loop3A_638 = %parallel_loop3A_349#1, %parallel_loop3A_639 = %parallel_loop3A_349#2, %parallel_loop3A_640 = %parallel_loop3A_349#3) -> (vector<16xf32>, vector<16xf32>, vector<16xf32>, vector<16xf32>)  : i32 {
        %parallel_loop3A_641 = arith.constant 0 : i32
        %parallel_loop3A_642 = arith.constant 0 : i32
        %parallel_loop3A_643 = tpu.memref_slice %arg8[%parallel_loop3A_388, %parallel_loop3A_641, %parallel_loop3A_642] : memref<4x104x64xf32, #tpu.memory_space<vmem>> -> memref<1x104x64xf32, #tpu.memory_space<vmem>>
        %parallel_loop3A_644 = tpu.memref_squeeze %parallel_loop3A_643 : memref<1x104x64xf32, #tpu.memory_space<vmem>> -> memref<104x64xf32, #tpu.memory_space<vmem>>
        %parallel_loop3A_645 = arith.index_cast %parallel_loop3A_636 : i32 to index
        %parallel_loop3A_646 = arith.constant 0 : index
        %parallel_loop3A_647 = tpu.vector_load %parallel_loop3A_644[%parallel_loop3A_645, %parallel_loop3A_646] {strides = array<i32>} : memref<104x64xf32, #tpu.memory_space<vmem>>, vector<16xf32>,
        %parallel_loop3A_648 = arith.addf %parallel_loop3A_637, %parallel_loop3A_647 : vector<16xf32>
        %parallel_loop3A_649 = arith.constant 0 : i32
        %parallel_loop3A_650 = arith.constant 0 : i32
        %parallel_loop3A_651 = tpu.memref_slice %arg8[%parallel_loop3A_388, %parallel_loop3A_649, %parallel_loop3A_650] : memref<4x104x64xf32, #tpu.memory_space<vmem>> -> memref<1x104x64xf32, #tpu.memory_space<vmem>>
        %parallel_loop3A_652 = tpu.memref_squeeze %parallel_loop3A_651 : memref<1x104x64xf32, #tpu.memory_space<vmem>> -> memref<104x64xf32, #tpu.memory_space<vmem>>
        %parallel_loop3A_653 = arith.index_cast %parallel_loop3A_636 : i32 to index
        %parallel_loop3A_654 = arith.constant 16 : index
        %parallel_loop3A_655 = tpu.vector_load %parallel_loop3A_652[%parallel_loop3A_653, %parallel_loop3A_654] {strides = array<i32>} : memref<104x64xf32, #tpu.memory_space<vmem>>, vector<16xf32>,
        %parallel_loop3A_656 = arith.addf %parallel_loop3A_638, %parallel_loop3A_655 : vector<16xf32>
        %parallel_loop3A_657 = arith.constant 0 : i32
        %parallel_loop3A_658 = arith.constant 0 : i32
        %parallel_loop3A_659 = tpu.memref_slice %arg8[%parallel_loop3A_388, %parallel_loop3A_657, %parallel_loop3A_658] : memref<4x104x64xf32, #tpu.memory_space<vmem>> -> memref<1x104x64xf32, #tpu.memory_space<vmem>>
        %parallel_loop3A_660 = tpu.memref_squeeze %parallel_loop3A_659 : memref<1x104x64xf32, #tpu.memory_space<vmem>> -> memref<104x64xf32, #tpu.memory_space<vmem>>
        %parallel_loop3A_661 = arith.index_cast %parallel_loop3A_636 : i32 to index
        %parallel_loop3A_662 = arith.constant 32 : index
        %parallel_loop3A_663 = tpu.vector_load %parallel_loop3A_660[%parallel_loop3A_661, %parallel_loop3A_662] {strides = array<i32>} : memref<104x64xf32, #tpu.memory_space<vmem>>, vector<16xf32>,
        %parallel_loop3A_664 = arith.addf %parallel_loop3A_639, %parallel_loop3A_663 : vector<16xf32>
        %parallel_loop3A_665 = arith.constant 0 : i32
        %parallel_loop3A_666 = arith.constant 0 : i32
        %parallel_loop3A_667 = tpu.memref_slice %arg8[%parallel_loop3A_388, %parallel_loop3A_665, %parallel_loop3A_666] : memref<4x104x64xf32, #tpu.memory_space<vmem>> -> memref<1x104x64xf32, #tpu.memory_space<vmem>>
        %parallel_loop3A_668 = tpu.memref_squeeze %parallel_loop3A_667 : memref<1x104x64xf32, #tpu.memory_space<vmem>> -> memref<104x64xf32, #tpu.memory_space<vmem>>
        %parallel_loop3A_669 = arith.index_cast %parallel_loop3A_636 : i32 to index
        %parallel_loop3A_670 = arith.constant 48 : index
        %parallel_loop3A_671 = tpu.vector_load %parallel_loop3A_668[%parallel_loop3A_669, %parallel_loop3A_670] {strides = array<i32>} : memref<104x64xf32, #tpu.memory_space<vmem>>, vector<16xf32>,
        %parallel_loop3A_672 = arith.addf %parallel_loop3A_640, %parallel_loop3A_671 : vector<16xf32>
        scf.yield %parallel_loop3A_648, %parallel_loop3A_656, %parallel_loop3A_664, %parallel_loop3A_672 : vector<16xf32>, vector<16xf32>, vector<16xf32>, vector<16xf32>
      } {sc.loop_unroll_factor = 4 : i64, sc.parallel_access}
      %add3A_390 = arith.constant 1 : i32
      %add3A_391 = arith.addi %add3A_328, %add3A_390 : i32
      %add3A_392 = arith.constant 4 : i32
      %add3A_393 = arith.addi %add3A_391, %add3A_392 : i32
      %shift_right_arithmetic3A_394 = arith.constant 1 : i32
      %shift_right_arithmetic3A_395 = arith.shrsi %add3A_393, %shift_right_arithmetic3A_394 : i32
      %dma_start3A_396 = arith.constant 1 : i32
      %dma_start3A_397 = arith.constant 1 : i32
      %dma_start3A_398 = arith.constant 0 : i32
      %dma_start3A_399 = arith.constant 0 : i32
      %dma_start3A_400 = tpu.memref_slice %arg8[%dma_start3A_396, %dma_start3A_398, %dma_start3A_399] : memref<4x104x64xf32, #tpu.memory_space<vmem>> -> memref<1x96x64xf32, #tpu.memory_space<vmem>>
      %dma_start3A_401 = tpu.memref_squeeze %dma_start3A_400 : memref<1x96x64xf32, #tpu.memory_space<vmem>> -> memref<96x64xf32, #tpu.memory_space<vmem>>
      %dma_start3A_402 = arith.constant 104 : i32
      %dma_start3A_403 = tpu.memref_slice %arg7[%shift_right_arithmetic3A_395, %dma_start3A_402] : memref<128x200xi32, #tpu.memory_space<vmem>> -> memref<1x96xi32, #tpu.memory_space<vmem>>
      %dma_start3A_404 = tpu.memref_squeeze %dma_start3A_403 : memref<1x96xi32, #tpu.memory_space<vmem>> -> memref<96xi32, #tpu.memory_space<vmem>>
      %dma_start3A_405 = arith.constant 0 : i32
      %dma_start3A_406 = arith.constant 0 : i32
      %dma_start3A_407 = tpu.memref_slice %arg2[%dma_start3A_405, %dma_start3A_406] : memref<1000000x64xf32, #tpu.memory_space<hbm>> -> memref<1000000x64xf32, #tpu.memory_space<hbm>>
      %dma_start3A_408 = tpu.memref_slice %arg12[%dma_start3A_397] : memref<4x!tpu.dma_semaphore, #tpu.memory_space<semaphore_mem>> -> memref<1x!tpu.dma_semaphore, #tpu.memory_space<semaphore_mem>>
      %dma_start3A_409 = tpu.memref_squeeze %dma_start3A_408 : memref<1x!tpu.dma_semaphore, #tpu.memory_space<semaphore_mem>> -> memref<!tpu.dma_semaphore, #tpu.memory_space<semaphore_mem>>
      tpu.enqueue_indirect_dma source(%dma_start3A_407 : memref<1000000x64xf32, #tpu.memory_space<hbm>>) target(%dma_start3A_401 : memref<96x64xf32, #tpu.memory_space<vmem>>) offsets(%dma_start3A_404 : memref<96xi32, #tpu.memory_space<vmem>>) semaphore(%dma_start3A_409 : memref<!tpu.dma_semaphore, #tpu.memory_space<semaphore_mem>>)
      %add3A_410 = arith.constant 0 : i32
      %add3A_411 = arith.addi %shift_right_arithmetic3A_329, %add3A_410 : i32
      %mul3A_412 = arith.mulf %parallel_loop3A_389#0, %get3A_8 : vector<16xf32>
      %reduce_sum3A_413 = arith.constant true
      %reduce_sum3A_414 = vector.broadcast %reduce_sum3A_413 : i1 to vector<16xi1>
      %reduce_sum3A_415 = tpu.scan <sum>, %mul3A_412 masked %reduce_sum3A_414 : vector<16xf32>, vector<16xi1> -> vector<16xf32>
      %reduce_sum3A_416 = vector.extract %reduce_sum3A_415[15] : f32 from vector<16xf32>
      %add3A_417 = arith.constant 0.000000e+00 : f32
      %add3A_418 = arith.addf %add3A_417, %reduce_sum3A_416 : f32
      %mul3A_419 = arith.mulf %parallel_loop3A_389#1, %get3A_12 : vector<16xf32>
      %reduce_sum3A_420 = arith.constant true
      %reduce_sum3A_421 = vector.broadcast %reduce_sum3A_420 : i1 to vector<16xi1>
      %reduce_sum3A_422 = tpu.scan <sum>, %mul3A_419 masked %reduce_sum3A_421 : vector<16xf32>, vector<16xi1> -> vector<16xf32>
      %reduce_sum3A_423 = vector.extract %reduce_sum3A_422[15] : f32 from vector<16xf32>
      %add3A_424 = arith.addf %add3A_418, %reduce_sum3A_423 : f32
      %mul3A_425 = arith.mulf %parallel_loop3A_389#2, %get3A_16 : vector<16xf32>
      %reduce_sum3A_426 = arith.constant true
      %reduce_sum3A_427 = vector.broadcast %reduce_sum3A_426 : i1 to vector<16xi1>
      %reduce_sum3A_428 = tpu.scan <sum>, %mul3A_425 masked %reduce_sum3A_427 : vector<16xf32>, vector<16xi1> -> vector<16xf32>
      %reduce_sum3A_429 = vector.extract %reduce_sum3A_428[15] : f32 from vector<16xf32>
      %add3A_430 = arith.addf %add3A_424, %reduce_sum3A_429 : f32
      %mul3A_431 = arith.mulf %parallel_loop3A_389#3, %get3A_20 : vector<16xf32>
      %reduce_sum3A_432 = arith.constant true
      %reduce_sum3A_433 = vector.broadcast %reduce_sum3A_432 : i1 to vector<16xi1>
      %reduce_sum3A_434 = tpu.scan <sum>, %mul3A_431 masked %reduce_sum3A_433 : vector<16xf32>, vector<16xi1> -> vector<16xf32>
      %reduce_sum3A_435 = vector.extract %reduce_sum3A_434[15] : f32 from vector<16xf32>
      %add3A_436 = arith.addf %add3A_430, %reduce_sum3A_435 : f32
      %eq3A_437 = arith.constant 0 : i32
      %eq3A_438 = vector.broadcast %eq3A_437 : i32 to vector<16xi32>
      %eq3A_439 = arith.cmpi eq, %iota3A, %eq3A_438 : vector<16xi32>
      %mul3A_440 = arith.mulf %add3A_436, %scan3A : f32
      %jit3A_441 = arith.constant 0.000000e+00 : f32
      %broadcast_in_dim3A_442 = vector.broadcast %mul3A_440 : f32 to vector<16xf32>
      %broadcast_in_dim3A_443 = vector.broadcast %jit3A_441 : f32 to vector<16xf32>
      %select_n3A_444 = arith.select %eq3A_439, %broadcast_in_dim3A_442, %broadcast_in_dim3A_443 : vector<16xi1>, vector<16xf32>
      %add3A_445 = arith.addf %get3A_4, %select_n3A_444 : vector<16xf32>
      %mul3A_446 = arith.mulf %parallel_loop3A_389#0, %get3A_24 : vector<16xf32>
      %reduce_sum3A_447 = arith.constant true
      %reduce_sum3A_448 = vector.broadcast %reduce_sum3A_447 : i1 to vector<16xi1>
      %reduce_sum3A_449 = tpu.scan <sum>, %mul3A_446 masked %reduce_sum3A_448 : vector<16xf32>, vector<16xi1> -> vector<16xf32>
      %reduce_sum3A_450 = vector.extract %reduce_sum3A_449[15] : f32 from vector<16xf32>
      %add3A_451 = arith.constant 0.000000e+00 : f32
      %add3A_452 = arith.addf %add3A_451, %reduce_sum3A_450 : f32
      %mul3A_453 = arith.mulf %parallel_loop3A_389#1, %get3A_28 : vector<16xf32>
      %reduce_sum3A_454 = arith.constant true
      %reduce_sum3A_455 = vector.broadcast %reduce_sum3A_454 : i1 to vector<16xi1>
      %reduce_sum3A_456 = tpu.scan <sum>, %mul3A_453 masked %reduce_sum3A_455 : vector<16xf32>, vector<16xi1> -> vector<16xf32>
      %reduce_sum3A_457 = vector.extract %reduce_sum3A_456[15] : f32 from vector<16xf32>
      %add3A_458 = arith.addf %add3A_452, %reduce_sum3A_457 : f32
      %mul3A_459 = arith.mulf %parallel_loop3A_389#2, %get3A_32 : vector<16xf32>
      %reduce_sum3A_460 = arith.constant true
      %reduce_sum3A_461 = vector.broadcast %reduce_sum3A_460 : i1 to vector<16xi1>
      %reduce_sum3A_462 = tpu.scan <sum>, %mul3A_459 masked %reduce_sum3A_461 : vector<16xf32>, vector<16xi1> -> vector<16xf32>
      %reduce_sum3A_463 = vector.extract %reduce_sum3A_462[15] : f32 from vector<16xf32>
      %add3A_464 = arith.addf %add3A_458, %reduce_sum3A_463 : f32
      %mul3A_465 = arith.mulf %parallel_loop3A_389#3, %get3A_36 : vector<16xf32>
      %reduce_sum3A_466 = arith.constant true
      %reduce_sum3A_467 = vector.broadcast %reduce_sum3A_466 : i1 to vector<16xi1>
      %reduce_sum3A_468 = tpu.scan <sum>, %mul3A_465 masked %reduce_sum3A_467 : vector<16xf32>, vector<16xi1> -> vector<16xf32>
      %reduce_sum3A_469 = vector.extract %reduce_sum3A_468[15] : f32 from vector<16xf32>
      %add3A_470 = arith.addf %add3A_464, %reduce_sum3A_469 : f32
      %eq3A_471 = arith.constant 1 : i32
      %eq3A_472 = vector.broadcast %eq3A_471 : i32 to vector<16xi32>
      %eq3A_473 = arith.cmpi eq, %iota3A, %eq3A_472 : vector<16xi32>
      %mul3A_474 = arith.mulf %add3A_470, %scan3A : f32
      %jit3A_475 = arith.constant 0.000000e+00 : f32
      %broadcast_in_dim3A_476 = vector.broadcast %mul3A_474 : f32 to vector<16xf32>
      %broadcast_in_dim3A_477 = vector.broadcast %jit3A_475 : f32 to vector<16xf32>
      %select_n3A_478 = arith.select %eq3A_473, %broadcast_in_dim3A_476, %broadcast_in_dim3A_477 : vector<16xi1>, vector<16xf32>
      %add3A_479 = arith.addf %add3A_445, %select_n3A_478 : vector<16xf32>
      %swap3A_480 = arith.index_cast %add3A_411 : i32 to index
      %swap3A_481 = arith.constant 0 : index
      %swap3A_482 = tpu.vector_load %arg11[%swap3A_480, %swap3A_481] {strides = array<i32>} : memref<128x16xf32, #tpu.memory_space<vmem>>, vector<16xf32>,
      tpu.vector_store %arg11[%swap3A_480, %swap3A_481], %add3A_479 {strides = array<i32>} : memref<128x16xf32, #tpu.memory_space<vmem>>, vector<16xf32>,
      %dma_wait3A_483 = arith.constant 0 : i32
      %dma_wait3A_484 = arith.constant 2 : i32
      %dma_wait3A_485 = arith.constant 2 : i32
      %dma_wait3A_486 = arith.constant 0 : i32
      %dma_wait3A_487 = arith.constant 0 : i32
      %dma_wait3A_488 = tpu.memref_slice %arg8[%dma_wait3A_484, %dma_wait3A_486, %dma_wait3A_487] : memref<4x104x64xf32, #tpu.memory_space<vmem>> -> memref<1x104x64xf32, #tpu.memory_space<vmem>>
      %dma_wait3A_489 = tpu.memref_squeeze %dma_wait3A_488 : memref<1x104x64xf32, #tpu.memory_space<vmem>> -> memref<104x64xf32, #tpu.memory_space<vmem>>
      %dma_wait3A_490 = arith.constant 0 : i32
      %dma_wait3A_491 = tpu.memref_slice %arg7[%dma_wait3A_483, %dma_wait3A_490] : memref<128x200xi32, #tpu.memory_space<vmem>> -> memref<1x104xi32, #tpu.memory_space<vmem>>
      %dma_wait3A_492 = tpu.memref_squeeze %dma_wait3A_491 : memref<1x104xi32, #tpu.memory_space<vmem>> -> memref<104xi32, #tpu.memory_space<vmem>>
      %dma_wait3A_493 = arith.constant 0 : i32
      %dma_wait3A_494 = arith.constant 0 : i32
      %dma_wait3A_495 = tpu.memref_slice %arg2[%dma_wait3A_493, %dma_wait3A_494] : memref<1000000x64xf32, #tpu.memory_space<hbm>> -> memref<1000000x64xf32, #tpu.memory_space<hbm>>
      %dma_wait3A_496 = tpu.memref_slice %arg12[%dma_wait3A_485] : memref<4x!tpu.dma_semaphore, #tpu.memory_space<semaphore_mem>> -> memref<1x!tpu.dma_semaphore, #tpu.memory_space<semaphore_mem>>
      %dma_wait3A_497 = tpu.memref_squeeze %dma_wait3A_496 : memref<1x!tpu.dma_semaphore, #tpu.memory_space<semaphore_mem>> -> memref<!tpu.dma_semaphore, #tpu.memory_space<semaphore_mem>>
      tpu.wait_indirect_dma semaphore(%dma_wait3A_497 : memref<!tpu.dma_semaphore, #tpu.memory_space<semaphore_mem>>) src(%dma_wait3A_495 : memref<1000000x64xf32, #tpu.memory_space<hbm>>) dst(%dma_wait3A_489 : memref<104x64xf32, #tpu.memory_space<vmem>>)
      %parallel_loop3A_498 = arith.constant 0 : i32
      %parallel_loop3A_499 = arith.constant 104 : i32
      %parallel_loop3A_500 = arith.constant 1 : i32
      %parallel_loop3A_501 = arith.constant 2 : i32
      %parallel_loop3A_502:4 = scf.for %parallel_loop3A_636 = %parallel_loop3A_498 to %parallel_loop3A_499 step %parallel_loop3A_500 iter_args(%parallel_loop3A_637 = %broadcast_in_dim3A_3, %parallel_loop3A_638 = %broadcast_in_dim3A_3, %parallel_loop3A_639 = %broadcast_in_dim3A_3, %parallel_loop3A_640 = %broadcast_in_dim3A_3) -> (vector<16xf32>, vector<16xf32>, vector<16xf32>, vector<16xf32>)  : i32 {
        %parallel_loop3A_641 = arith.constant 0 : i32
        %parallel_loop3A_642 = arith.constant 0 : i32
        %parallel_loop3A_643 = tpu.memref_slice %arg8[%parallel_loop3A_501, %parallel_loop3A_641, %parallel_loop3A_642] : memref<4x104x64xf32, #tpu.memory_space<vmem>> -> memref<1x104x64xf32, #tpu.memory_space<vmem>>
        %parallel_loop3A_644 = tpu.memref_squeeze %parallel_loop3A_643 : memref<1x104x64xf32, #tpu.memory_space<vmem>> -> memref<104x64xf32, #tpu.memory_space<vmem>>
        %parallel_loop3A_645 = arith.index_cast %parallel_loop3A_636 : i32 to index
        %parallel_loop3A_646 = arith.constant 0 : index
        %parallel_loop3A_647 = tpu.vector_load %parallel_loop3A_644[%parallel_loop3A_645, %parallel_loop3A_646] {strides = array<i32>} : memref<104x64xf32, #tpu.memory_space<vmem>>, vector<16xf32>,
        %parallel_loop3A_648 = arith.addf %parallel_loop3A_637, %parallel_loop3A_647 : vector<16xf32>
        %parallel_loop3A_649 = arith.constant 0 : i32
        %parallel_loop3A_650 = arith.constant 0 : i32
        %parallel_loop3A_651 = tpu.memref_slice %arg8[%parallel_loop3A_501, %parallel_loop3A_649, %parallel_loop3A_650] : memref<4x104x64xf32, #tpu.memory_space<vmem>> -> memref<1x104x64xf32, #tpu.memory_space<vmem>>
        %parallel_loop3A_652 = tpu.memref_squeeze %parallel_loop3A_651 : memref<1x104x64xf32, #tpu.memory_space<vmem>> -> memref<104x64xf32, #tpu.memory_space<vmem>>
        %parallel_loop3A_653 = arith.index_cast %parallel_loop3A_636 : i32 to index
        %parallel_loop3A_654 = arith.constant 16 : index
        %parallel_loop3A_655 = tpu.vector_load %parallel_loop3A_652[%parallel_loop3A_653, %parallel_loop3A_654] {strides = array<i32>} : memref<104x64xf32, #tpu.memory_space<vmem>>, vector<16xf32>,
        %parallel_loop3A_656 = arith.addf %parallel_loop3A_638, %parallel_loop3A_655 : vector<16xf32>
        %parallel_loop3A_657 = arith.constant 0 : i32
        %parallel_loop3A_658 = arith.constant 0 : i32
        %parallel_loop3A_659 = tpu.memref_slice %arg8[%parallel_loop3A_501, %parallel_loop3A_657, %parallel_loop3A_658] : memref<4x104x64xf32, #tpu.memory_space<vmem>> -> memref<1x104x64xf32, #tpu.memory_space<vmem>>
        %parallel_loop3A_660 = tpu.memref_squeeze %parallel_loop3A_659 : memref<1x104x64xf32, #tpu.memory_space<vmem>> -> memref<104x64xf32, #tpu.memory_space<vmem>>
        %parallel_loop3A_661 = arith.index_cast %parallel_loop3A_636 : i32 to index
        %parallel_loop3A_662 = arith.constant 32 : index
        %parallel_loop3A_663 = tpu.vector_load %parallel_loop3A_660[%parallel_loop3A_661, %parallel_loop3A_662] {strides = array<i32>} : memref<104x64xf32, #tpu.memory_space<vmem>>, vector<16xf32>,
        %parallel_loop3A_664 = arith.addf %parallel_loop3A_639, %parallel_loop3A_663 : vector<16xf32>
        %parallel_loop3A_665 = arith.constant 0 : i32
        %parallel_loop3A_666 = arith.constant 0 : i32
        %parallel_loop3A_667 = tpu.memref_slice %arg8[%parallel_loop3A_501, %parallel_loop3A_665, %parallel_loop3A_666] : memref<4x104x64xf32, #tpu.memory_space<vmem>> -> memref<1x104x64xf32, #tpu.memory_space<vmem>>
        %parallel_loop3A_668 = tpu.memref_squeeze %parallel_loop3A_667 : memref<1x104x64xf32, #tpu.memory_space<vmem>> -> memref<104x64xf32, #tpu.memory_space<vmem>>
        %parallel_loop3A_669 = arith.index_cast %parallel_loop3A_636 : i32 to index
        %parallel_loop3A_670 = arith.constant 48 : index
        %parallel_loop3A_671 = tpu.vector_load %parallel_loop3A_668[%parallel_loop3A_669, %parallel_loop3A_670] {strides = array<i32>} : memref<104x64xf32, #tpu.memory_space<vmem>>, vector<16xf32>,
        %parallel_loop3A_672 = arith.addf %parallel_loop3A_640, %parallel_loop3A_671 : vector<16xf32>
        scf.yield %parallel_loop3A_648, %parallel_loop3A_656, %parallel_loop3A_664, %parallel_loop3A_672 : vector<16xf32>, vector<16xf32>, vector<16xf32>, vector<16xf32>
      } {sc.loop_unroll_factor = 4 : i64, sc.parallel_access}
      %add3A_503 = arith.constant 2 : i32
      %add3A_504 = arith.addi %add3A_328, %add3A_503 : i32
      %add3A_505 = arith.constant 4 : i32
      %add3A_506 = arith.addi %add3A_504, %add3A_505 : i32
      %shift_right_arithmetic3A_507 = arith.constant 1 : i32
      %shift_right_arithmetic3A_508 = arith.shrsi %add3A_506, %shift_right_arithmetic3A_507 : i32
      %dma_start3A_509 = arith.constant 2 : i32
      %dma_start3A_510 = arith.constant 2 : i32
      %dma_start3A_511 = arith.constant 0 : i32
      %dma_start3A_512 = arith.constant 0 : i32
      %dma_start3A_513 = tpu.memref_slice %arg8[%dma_start3A_509, %dma_start3A_511, %dma_start3A_512] : memref<4x104x64xf32, #tpu.memory_space<vmem>> -> memref<1x104x64xf32, #tpu.memory_space<vmem>>
      %dma_start3A_514 = tpu.memref_squeeze %dma_start3A_513 : memref<1x104x64xf32, #tpu.memory_space<vmem>> -> memref<104x64xf32, #tpu.memory_space<vmem>>
      %dma_start3A_515 = arith.constant 0 : i32
      %dma_start3A_516 = tpu.memref_slice %arg7[%shift_right_arithmetic3A_508, %dma_start3A_515] : memref<128x200xi32, #tpu.memory_space<vmem>> -> memref<1x104xi32, #tpu.memory_space<vmem>>
      %dma_start3A_517 = tpu.memref_squeeze %dma_start3A_516 : memref<1x104xi32, #tpu.memory_space<vmem>> -> memref<104xi32, #tpu.memory_space<vmem>>
      %dma_start3A_518 = arith.constant 0 : i32
      %dma_start3A_519 = arith.constant 0 : i32
      %dma_start3A_520 = tpu.memref_slice %arg2[%dma_start3A_518, %dma_start3A_519] : memref<1000000x64xf32, #tpu.memory_space<hbm>> -> memref<1000000x64xf32, #tpu.memory_space<hbm>>
      %dma_start3A_521 = tpu.memref_slice %arg12[%dma_start3A_510] : memref<4x!tpu.dma_semaphore, #tpu.memory_space<semaphore_mem>> -> memref<1x!tpu.dma_semaphore, #tpu.memory_space<semaphore_mem>>
      %dma_start3A_522 = tpu.memref_squeeze %dma_start3A_521 : memref<1x!tpu.dma_semaphore, #tpu.memory_space<semaphore_mem>> -> memref<!tpu.dma_semaphore, #tpu.memory_space<semaphore_mem>>
      tpu.enqueue_indirect_dma source(%dma_start3A_520 : memref<1000000x64xf32, #tpu.memory_space<hbm>>) target(%dma_start3A_514 : memref<104x64xf32, #tpu.memory_space<vmem>>) offsets(%dma_start3A_517 : memref<104xi32, #tpu.memory_space<vmem>>) semaphore(%dma_start3A_522 : memref<!tpu.dma_semaphore, #tpu.memory_space<semaphore_mem>>)
      %dma_wait3A_523 = arith.constant 0 : i32
      %dma_wait3A_524 = arith.constant 3 : i32
      %dma_wait3A_525 = arith.constant 3 : i32
      %dma_wait3A_526 = arith.constant 0 : i32
      %dma_wait3A_527 = arith.constant 0 : i32
      %dma_wait3A_528 = tpu.memref_slice %arg8[%dma_wait3A_524, %dma_wait3A_526, %dma_wait3A_527] : memref<4x104x64xf32, #tpu.memory_space<vmem>> -> memref<1x96x64xf32, #tpu.memory_space<vmem>>
      %dma_wait3A_529 = tpu.memref_squeeze %dma_wait3A_528 : memref<1x96x64xf32, #tpu.memory_space<vmem>> -> memref<96x64xf32, #tpu.memory_space<vmem>>
      %dma_wait3A_530 = arith.constant 0 : i32
      %dma_wait3A_531 = tpu.memref_slice %arg7[%dma_wait3A_523, %dma_wait3A_530] : memref<128x200xi32, #tpu.memory_space<vmem>> -> memref<1x96xi32, #tpu.memory_space<vmem>>
      %dma_wait3A_532 = tpu.memref_squeeze %dma_wait3A_531 : memref<1x96xi32, #tpu.memory_space<vmem>> -> memref<96xi32, #tpu.memory_space<vmem>>
      %dma_wait3A_533 = arith.constant 0 : i32
      %dma_wait3A_534 = arith.constant 0 : i32
      %dma_wait3A_535 = tpu.memref_slice %arg2[%dma_wait3A_533, %dma_wait3A_534] : memref<1000000x64xf32, #tpu.memory_space<hbm>> -> memref<1000000x64xf32, #tpu.memory_space<hbm>>
      %dma_wait3A_536 = tpu.memref_slice %arg12[%dma_wait3A_525] : memref<4x!tpu.dma_semaphore, #tpu.memory_space<semaphore_mem>> -> memref<1x!tpu.dma_semaphore, #tpu.memory_space<semaphore_mem>>
      %dma_wait3A_537 = tpu.memref_squeeze %dma_wait3A_536 : memref<1x!tpu.dma_semaphore, #tpu.memory_space<semaphore_mem>> -> memref<!tpu.dma_semaphore, #tpu.memory_space<semaphore_mem>>
      tpu.wait_indirect_dma semaphore(%dma_wait3A_537 : memref<!tpu.dma_semaphore, #tpu.memory_space<semaphore_mem>>) src(%dma_wait3A_535 : memref<1000000x64xf32, #tpu.memory_space<hbm>>) dst(%dma_wait3A_529 : memref<96x64xf32, #tpu.memory_space<vmem>>)
      %parallel_loop3A_538 = arith.constant 0 : i32
      %parallel_loop3A_539 = arith.constant 96 : i32
      %parallel_loop3A_540 = arith.constant 1 : i32
      %parallel_loop3A_541 = arith.constant 3 : i32
      %parallel_loop3A_542:4 = scf.for %parallel_loop3A_636 = %parallel_loop3A_538 to %parallel_loop3A_539 step %parallel_loop3A_540 iter_args(%parallel_loop3A_637 = %parallel_loop3A_502#0, %parallel_loop3A_638 = %parallel_loop3A_502#1, %parallel_loop3A_639 = %parallel_loop3A_502#2, %parallel_loop3A_640 = %parallel_loop3A_502#3) -> (vector<16xf32>, vector<16xf32>, vector<16xf32>, vector<16xf32>)  : i32 {
        %parallel_loop3A_641 = arith.constant 0 : i32
        %parallel_loop3A_642 = arith.constant 0 : i32
        %parallel_loop3A_643 = tpu.memref_slice %arg8[%parallel_loop3A_541, %parallel_loop3A_641, %parallel_loop3A_642] : memref<4x104x64xf32, #tpu.memory_space<vmem>> -> memref<1x104x64xf32, #tpu.memory_space<vmem>>
        %parallel_loop3A_644 = tpu.memref_squeeze %parallel_loop3A_643 : memref<1x104x64xf32, #tpu.memory_space<vmem>> -> memref<104x64xf32, #tpu.memory_space<vmem>>
        %parallel_loop3A_645 = arith.index_cast %parallel_loop3A_636 : i32 to index
        %parallel_loop3A_646 = arith.constant 0 : index
        %parallel_loop3A_647 = tpu.vector_load %parallel_loop3A_644[%parallel_loop3A_645, %parallel_loop3A_646] {strides = array<i32>} : memref<104x64xf32, #tpu.memory_space<vmem>>, vector<16xf32>,
        %parallel_loop3A_648 = arith.addf %parallel_loop3A_637, %parallel_loop3A_647 : vector<16xf32>
        %parallel_loop3A_649 = arith.constant 0 : i32
        %parallel_loop3A_650 = arith.constant 0 : i32
        %parallel_loop3A_651 = tpu.memref_slice %arg8[%parallel_loop3A_541, %parallel_loop3A_649, %parallel_loop3A_650] : memref<4x104x64xf32, #tpu.memory_space<vmem>> -> memref<1x104x64xf32, #tpu.memory_space<vmem>>
        %parallel_loop3A_652 = tpu.memref_squeeze %parallel_loop3A_651 : memref<1x104x64xf32, #tpu.memory_space<vmem>> -> memref<104x64xf32, #tpu.memory_space<vmem>>
        %parallel_loop3A_653 = arith.index_cast %parallel_loop3A_636 : i32 to index
        %parallel_loop3A_654 = arith.constant 16 : index
        %parallel_loop3A_655 = tpu.vector_load %parallel_loop3A_652[%parallel_loop3A_653, %parallel_loop3A_654] {strides = array<i32>} : memref<104x64xf32, #tpu.memory_space<vmem>>, vector<16xf32>,
        %parallel_loop3A_656 = arith.addf %parallel_loop3A_638, %parallel_loop3A_655 : vector<16xf32>
        %parallel_loop3A_657 = arith.constant 0 : i32
        %parallel_loop3A_658 = arith.constant 0 : i32
        %parallel_loop3A_659 = tpu.memref_slice %arg8[%parallel_loop3A_541, %parallel_loop3A_657, %parallel_loop3A_658] : memref<4x104x64xf32, #tpu.memory_space<vmem>> -> memref<1x104x64xf32, #tpu.memory_space<vmem>>
        %parallel_loop3A_660 = tpu.memref_squeeze %parallel_loop3A_659 : memref<1x104x64xf32, #tpu.memory_space<vmem>> -> memref<104x64xf32, #tpu.memory_space<vmem>>
        %parallel_loop3A_661 = arith.index_cast %parallel_loop3A_636 : i32 to index
        %parallel_loop3A_662 = arith.constant 32 : index
        %parallel_loop3A_663 = tpu.vector_load %parallel_loop3A_660[%parallel_loop3A_661, %parallel_loop3A_662] {strides = array<i32>} : memref<104x64xf32, #tpu.memory_space<vmem>>, vector<16xf32>,
        %parallel_loop3A_664 = arith.addf %parallel_loop3A_639, %parallel_loop3A_663 : vector<16xf32>
        %parallel_loop3A_665 = arith.constant 0 : i32
        %parallel_loop3A_666 = arith.constant 0 : i32
        %parallel_loop3A_667 = tpu.memref_slice %arg8[%parallel_loop3A_541, %parallel_loop3A_665, %parallel_loop3A_666] : memref<4x104x64xf32, #tpu.memory_space<vmem>> -> memref<1x104x64xf32, #tpu.memory_space<vmem>>
        %parallel_loop3A_668 = tpu.memref_squeeze %parallel_loop3A_667 : memref<1x104x64xf32, #tpu.memory_space<vmem>> -> memref<104x64xf32, #tpu.memory_space<vmem>>
        %parallel_loop3A_669 = arith.index_cast %parallel_loop3A_636 : i32 to index
        %parallel_loop3A_670 = arith.constant 48 : index
        %parallel_loop3A_671 = tpu.vector_load %parallel_loop3A_668[%parallel_loop3A_669, %parallel_loop3A_670] {strides = array<i32>} : memref<104x64xf32, #tpu.memory_space<vmem>>, vector<16xf32>,
        %parallel_loop3A_672 = arith.addf %parallel_loop3A_640, %parallel_loop3A_671 : vector<16xf32>
        scf.yield %parallel_loop3A_648, %parallel_loop3A_656, %parallel_loop3A_664, %parallel_loop3A_672 : vector<16xf32>, vector<16xf32>, vector<16xf32>, vector<16xf32>
      } {sc.loop_unroll_factor = 4 : i64, sc.parallel_access}
      %add3A_543 = arith.constant 3 : i32
      %add3A_544 = arith.addi %add3A_328, %add3A_543 : i32
      %add3A_545 = arith.constant 4 : i32
      %add3A_546 = arith.addi %add3A_544, %add3A_545 : i32
      %shift_right_arithmetic3A_547 = arith.constant 1 : i32
      %shift_right_arithmetic3A_548 = arith.shrsi %add3A_546, %shift_right_arithmetic3A_547 : i32
      %dma_start3A_549 = arith.constant 3 : i32
      %dma_start3A_550 = arith.constant 3 : i32
      %dma_start3A_551 = arith.constant 0 : i32
      %dma_start3A_552 = arith.constant 0 : i32
      %dma_start3A_553 = tpu.memref_slice %arg8[%dma_start3A_549, %dma_start3A_551, %dma_start3A_552] : memref<4x104x64xf32, #tpu.memory_space<vmem>> -> memref<1x96x64xf32, #tpu.memory_space<vmem>>
      %dma_start3A_554 = tpu.memref_squeeze %dma_start3A_553 : memref<1x96x64xf32, #tpu.memory_space<vmem>> -> memref<96x64xf32, #tpu.memory_space<vmem>>
      %dma_start3A_555 = arith.constant 104 : i32
      %dma_start3A_556 = tpu.memref_slice %arg7[%shift_right_arithmetic3A_548, %dma_start3A_555] : memref<128x200xi32, #tpu.memory_space<vmem>> -> memref<1x96xi32, #tpu.memory_space<vmem>>
      %dma_start3A_557 = tpu.memref_squeeze %dma_start3A_556 : memref<1x96xi32, #tpu.memory_space<vmem>> -> memref<96xi32, #tpu.memory_space<vmem>>
      %dma_start3A_558 = arith.constant 0 : i32
      %dma_start3A_559 = arith.constant 0 : i32
      %dma_start3A_560 = tpu.memref_slice %arg2[%dma_start3A_558, %dma_start3A_559] : memref<1000000x64xf32, #tpu.memory_space<hbm>> -> memref<1000000x64xf32, #tpu.memory_space<hbm>>
      %dma_start3A_561 = tpu.memref_slice %arg12[%dma_start3A_550] : memref<4x!tpu.dma_semaphore, #tpu.memory_space<semaphore_mem>> -> memref<1x!tpu.dma_semaphore, #tpu.memory_space<semaphore_mem>>
      %dma_start3A_562 = tpu.memref_squeeze %dma_start3A_561 : memref<1x!tpu.dma_semaphore, #tpu.memory_space<semaphore_mem>> -> memref<!tpu.dma_semaphore, #tpu.memory_space<semaphore_mem>>
      tpu.enqueue_indirect_dma source(%dma_start3A_560 : memref<1000000x64xf32, #tpu.memory_space<hbm>>) target(%dma_start3A_554 : memref<96x64xf32, #tpu.memory_space<vmem>>) offsets(%dma_start3A_557 : memref<96xi32, #tpu.memory_space<vmem>>) semaphore(%dma_start3A_562 : memref<!tpu.dma_semaphore, #tpu.memory_space<semaphore_mem>>)
      %add3A_563 = arith.constant 1 : i32
      %add3A_564 = arith.addi %shift_right_arithmetic3A_329, %add3A_563 : i32
      %mul3A_565 = arith.mulf %parallel_loop3A_542#0, %get3A_8 : vector<16xf32>
      %reduce_sum3A_566 = arith.constant true
      %reduce_sum3A_567 = vector.broadcast %reduce_sum3A_566 : i1 to vector<16xi1>
      %reduce_sum3A_568 = tpu.scan <sum>, %mul3A_565 masked %reduce_sum3A_567 : vector<16xf32>, vector<16xi1> -> vector<16xf32>
      %reduce_sum3A_569 = vector.extract %reduce_sum3A_568[15] : f32 from vector<16xf32>
      %add3A_570 = arith.constant 0.000000e+00 : f32
      %add3A_571 = arith.addf %add3A_570, %reduce_sum3A_569 : f32
      %mul3A_572 = arith.mulf %parallel_loop3A_542#1, %get3A_12 : vector<16xf32>
      %reduce_sum3A_573 = arith.constant true
      %reduce_sum3A_574 = vector.broadcast %reduce_sum3A_573 : i1 to vector<16xi1>
      %reduce_sum3A_575 = tpu.scan <sum>, %mul3A_572 masked %reduce_sum3A_574 : vector<16xf32>, vector<16xi1> -> vector<16xf32>
      %reduce_sum3A_576 = vector.extract %reduce_sum3A_575[15] : f32 from vector<16xf32>
      %add3A_577 = arith.addf %add3A_571, %reduce_sum3A_576 : f32
      %mul3A_578 = arith.mulf %parallel_loop3A_542#2, %get3A_16 : vector<16xf32>
      %reduce_sum3A_579 = arith.constant true
      %reduce_sum3A_580 = vector.broadcast %reduce_sum3A_579 : i1 to vector<16xi1>
      %reduce_sum3A_581 = tpu.scan <sum>, %mul3A_578 masked %reduce_sum3A_580 : vector<16xf32>, vector<16xi1> -> vector<16xf32>
      %reduce_sum3A_582 = vector.extract %reduce_sum3A_581[15] : f32 from vector<16xf32>
      %add3A_583 = arith.addf %add3A_577, %reduce_sum3A_582 : f32
      %mul3A_584 = arith.mulf %parallel_loop3A_542#3, %get3A_20 : vector<16xf32>
      %reduce_sum3A_585 = arith.constant true
      %reduce_sum3A_586 = vector.broadcast %reduce_sum3A_585 : i1 to vector<16xi1>
      %reduce_sum3A_587 = tpu.scan <sum>, %mul3A_584 masked %reduce_sum3A_586 : vector<16xf32>, vector<16xi1> -> vector<16xf32>
      %reduce_sum3A_588 = vector.extract %reduce_sum3A_587[15] : f32 from vector<16xf32>
      %add3A_589 = arith.addf %add3A_583, %reduce_sum3A_588 : f32
      %eq3A_590 = arith.constant 0 : i32
      %eq3A_591 = vector.broadcast %eq3A_590 : i32 to vector<16xi32>
      %eq3A_592 = arith.cmpi eq, %iota3A, %eq3A_591 : vector<16xi32>
      %mul3A_593 = arith.mulf %add3A_589, %scan3A : f32
      %jit3A_594 = arith.constant 0.000000e+00 : f32
      %broadcast_in_dim3A_595 = vector.broadcast %mul3A_593 : f32 to vector<16xf32>
      %broadcast_in_dim3A_596 = vector.broadcast %jit3A_594 : f32 to vector<16xf32>
      %select_n3A_597 = arith.select %eq3A_592, %broadcast_in_dim3A_595, %broadcast_in_dim3A_596 : vector<16xi1>, vector<16xf32>
      %add3A_598 = arith.addf %get3A_4, %select_n3A_597 : vector<16xf32>
      %mul3A_599 = arith.mulf %parallel_loop3A_542#0, %get3A_24 : vector<16xf32>
      %reduce_sum3A_600 = arith.constant true
      %reduce_sum3A_601 = vector.broadcast %reduce_sum3A_600 : i1 to vector<16xi1>
      %reduce_sum3A_602 = tpu.scan <sum>, %mul3A_599 masked %reduce_sum3A_601 : vector<16xf32>, vector<16xi1> -> vector<16xf32>
      %reduce_sum3A_603 = vector.extract %reduce_sum3A_602[15] : f32 from vector<16xf32>
      %add3A_604 = arith.constant 0.000000e+00 : f32
      %add3A_605 = arith.addf %add3A_604, %reduce_sum3A_603 : f32
      %mul3A_606 = arith.mulf %parallel_loop3A_542#1, %get3A_28 : vector<16xf32>
      %reduce_sum3A_607 = arith.constant true
      %reduce_sum3A_608 = vector.broadcast %reduce_sum3A_607 : i1 to vector<16xi1>
      %reduce_sum3A_609 = tpu.scan <sum>, %mul3A_606 masked %reduce_sum3A_608 : vector<16xf32>, vector<16xi1> -> vector<16xf32>
      %reduce_sum3A_610 = vector.extract %reduce_sum3A_609[15] : f32 from vector<16xf32>
      %add3A_611 = arith.addf %add3A_605, %reduce_sum3A_610 : f32
      %mul3A_612 = arith.mulf %parallel_loop3A_542#2, %get3A_32 : vector<16xf32>
      %reduce_sum3A_613 = arith.constant true
      %reduce_sum3A_614 = vector.broadcast %reduce_sum3A_613 : i1 to vector<16xi1>
      %reduce_sum3A_615 = tpu.scan <sum>, %mul3A_612 masked %reduce_sum3A_614 : vector<16xf32>, vector<16xi1> -> vector<16xf32>
      %reduce_sum3A_616 = vector.extract %reduce_sum3A_615[15] : f32 from vector<16xf32>
      %add3A_617 = arith.addf %add3A_611, %reduce_sum3A_616 : f32
      %mul3A_618 = arith.mulf %parallel_loop3A_542#3, %get3A_36 : vector<16xf32>
      %reduce_sum3A_619 = arith.constant true
      %reduce_sum3A_620 = vector.broadcast %reduce_sum3A_619 : i1 to vector<16xi1>
      %reduce_sum3A_621 = tpu.scan <sum>, %mul3A_618 masked %reduce_sum3A_620 : vector<16xf32>, vector<16xi1> -> vector<16xf32>
      %reduce_sum3A_622 = vector.extract %reduce_sum3A_621[15] : f32 from vector<16xf32>
      %add3A_623 = arith.addf %add3A_617, %reduce_sum3A_622 : f32
      %eq3A_624 = arith.constant 1 : i32
      %eq3A_625 = vector.broadcast %eq3A_624 : i32 to vector<16xi32>
      %eq3A_626 = arith.cmpi eq, %iota3A, %eq3A_625 : vector<16xi32>
      %mul3A_627 = arith.mulf %add3A_623, %scan3A : f32
      %jit3A_628 = arith.constant 0.000000e+00 : f32
      %broadcast_in_dim3A_629 = vector.broadcast %mul3A_627 : f32 to vector<16xf32>
      %broadcast_in_dim3A_630 = vector.broadcast %jit3A_628 : f32 to vector<16xf32>
      %select_n3A_631 = arith.select %eq3A_626, %broadcast_in_dim3A_629, %broadcast_in_dim3A_630 : vector<16xi1>, vector<16xf32>
      %add3A_632 = arith.addf %add3A_598, %select_n3A_631 : vector<16xf32>
      %swap3A_633 = arith.index_cast %add3A_564 : i32 to index
      %swap3A_634 = arith.constant 0 : index
      %swap3A_635 = tpu.vector_load %arg11[%swap3A_633, %swap3A_634] {strides = array<i32>} : memref<128x16xf32, #tpu.memory_space<vmem>>, vector<16xf32>,
      tpu.vector_store %arg11[%swap3A_633, %swap3A_634], %add3A_632 {strides = array<i32>} : memref<128x16xf32, #tpu.memory_space<vmem>>, vector<16xf32>,
    }
    %scan3A_100 = arith.constant 63 : i32
    %dma_wait3A = arith.constant 0 : i32
    %dma_wait3A_101 = arith.constant 0 : i32
    %dma_wait3A_102 = arith.constant 0 : i32
    %dma_wait3A_103 = arith.constant 0 : i32
    %dma_wait3A_104 = arith.constant 0 : i32
    %dma_wait3A_105 = tpu.memref_slice %arg8[%dma_wait3A_101, %dma_wait3A_103, %dma_wait3A_104] : memref<4x104x64xf32, #tpu.memory_space<vmem>> -> memref<1x104x64xf32, #tpu.memory_space<vmem>>
    %dma_wait3A_106 = tpu.memref_squeeze %dma_wait3A_105 : memref<1x104x64xf32, #tpu.memory_space<vmem>> -> memref<104x64xf32, #tpu.memory_space<vmem>>
    %dma_wait3A_107 = arith.constant 0 : i32
    %dma_wait3A_108 = tpu.memref_slice %arg7[%dma_wait3A, %dma_wait3A_107] : memref<128x200xi32, #tpu.memory_space<vmem>> -> memref<1x104xi32, #tpu.memory_space<vmem>>
    %dma_wait3A_109 = tpu.memref_squeeze %dma_wait3A_108 : memref<1x104xi32, #tpu.memory_space<vmem>> -> memref<104xi32, #tpu.memory_space<vmem>>
    %dma_wait3A_110 = arith.constant 0 : i32
    %dma_wait3A_111 = arith.constant 0 : i32
    %dma_wait3A_112 = tpu.memref_slice %arg2[%dma_wait3A_110, %dma_wait3A_111] : memref<1000000x64xf32, #tpu.memory_space<hbm>> -> memref<1000000x64xf32, #tpu.memory_space<hbm>>
    %dma_wait3A_113 = tpu.memref_slice %arg12[%dma_wait3A_102] : memref<4x!tpu.dma_semaphore, #tpu.memory_space<semaphore_mem>> -> memref<1x!tpu.dma_semaphore, #tpu.memory_space<semaphore_mem>>
    %dma_wait3A_114 = tpu.memref_squeeze %dma_wait3A_113 : memref<1x!tpu.dma_semaphore, #tpu.memory_space<semaphore_mem>> -> memref<!tpu.dma_semaphore, #tpu.memory_space<semaphore_mem>>
    tpu.wait_indirect_dma semaphore(%dma_wait3A_114 : memref<!tpu.dma_semaphore, #tpu.memory_space<semaphore_mem>>) src(%dma_wait3A_112 : memref<1000000x64xf32, #tpu.memory_space<hbm>>) dst(%dma_wait3A_106 : memref<104x64xf32, #tpu.memory_space<vmem>>)
    %parallel_loop3A = arith.constant 0 : i32
    %parallel_loop3A_115 = arith.constant 104 : i32
    %parallel_loop3A_116 = arith.constant 1 : i32
    %parallel_loop3A_117 = arith.constant 0 : i32
    %parallel_loop3A_118:4 = scf.for %parallel_loop3A_324 = %parallel_loop3A to %parallel_loop3A_115 step %parallel_loop3A_116 iter_args(%parallel_loop3A_325 = %broadcast_in_dim3A_3, %parallel_loop3A_326 = %broadcast_in_dim3A_3, %parallel_loop3A_327 = %broadcast_in_dim3A_3, %parallel_loop3A_328 = %broadcast_in_dim3A_3) -> (vector<16xf32>, vector<16xf32>, vector<16xf32>, vector<16xf32>)  : i32 {
      %parallel_loop3A_329 = arith.constant 0 : i32
      %parallel_loop3A_330 = arith.constant 0 : i32
      %parallel_loop3A_331 = tpu.memref_slice %arg8[%parallel_loop3A_117, %parallel_loop3A_329, %parallel_loop3A_330] : memref<4x104x64xf32, #tpu.memory_space<vmem>> -> memref<1x104x64xf32, #tpu.memory_space<vmem>>
      %parallel_loop3A_332 = tpu.memref_squeeze %parallel_loop3A_331 : memref<1x104x64xf32, #tpu.memory_space<vmem>> -> memref<104x64xf32, #tpu.memory_space<vmem>>
      %parallel_loop3A_333 = arith.index_cast %parallel_loop3A_324 : i32 to index
      %parallel_loop3A_334 = arith.constant 0 : index
      %parallel_loop3A_335 = tpu.vector_load %parallel_loop3A_332[%parallel_loop3A_333, %parallel_loop3A_334] {strides = array<i32>} : memref<104x64xf32, #tpu.memory_space<vmem>>, vector<16xf32>,
      %parallel_loop3A_336 = arith.addf %parallel_loop3A_325, %parallel_loop3A_335 : vector<16xf32>
      %parallel_loop3A_337 = arith.constant 0 : i32
      %parallel_loop3A_338 = arith.constant 0 : i32
      %parallel_loop3A_339 = tpu.memref_slice %arg8[%parallel_loop3A_117, %parallel_loop3A_337, %parallel_loop3A_338] : memref<4x104x64xf32, #tpu.memory_space<vmem>> -> memref<1x104x64xf32, #tpu.memory_space<vmem>>
      %parallel_loop3A_340 = tpu.memref_squeeze %parallel_loop3A_339 : memref<1x104x64xf32, #tpu.memory_space<vmem>> -> memref<104x64xf32, #tpu.memory_space<vmem>>
      %parallel_loop3A_341 = arith.index_cast %parallel_loop3A_324 : i32 to index
      %parallel_loop3A_342 = arith.constant 16 : index
      %parallel_loop3A_343 = tpu.vector_load %parallel_loop3A_340[%parallel_loop3A_341, %parallel_loop3A_342] {strides = array<i32>} : memref<104x64xf32, #tpu.memory_space<vmem>>, vector<16xf32>,
      %parallel_loop3A_344 = arith.addf %parallel_loop3A_326, %parallel_loop3A_343 : vector<16xf32>
      %parallel_loop3A_345 = arith.constant 0 : i32
      %parallel_loop3A_346 = arith.constant 0 : i32
      %parallel_loop3A_347 = tpu.memref_slice %arg8[%parallel_loop3A_117, %parallel_loop3A_345, %parallel_loop3A_346] : memref<4x104x64xf32, #tpu.memory_space<vmem>> -> memref<1x104x64xf32, #tpu.memory_space<vmem>>
      %parallel_loop3A_348 = tpu.memref_squeeze %parallel_loop3A_347 : memref<1x104x64xf32, #tpu.memory_space<vmem>> -> memref<104x64xf32, #tpu.memory_space<vmem>>
      %parallel_loop3A_349 = arith.index_cast %parallel_loop3A_324 : i32 to index
      %parallel_loop3A_350 = arith.constant 32 : index
      %parallel_loop3A_351 = tpu.vector_load %parallel_loop3A_348[%parallel_loop3A_349, %parallel_loop3A_350] {strides = array<i32>} : memref<104x64xf32, #tpu.memory_space<vmem>>, vector<16xf32>,
      %parallel_loop3A_352 = arith.addf %parallel_loop3A_327, %parallel_loop3A_351 : vector<16xf32>
      %parallel_loop3A_353 = arith.constant 0 : i32
      %parallel_loop3A_354 = arith.constant 0 : i32
      %parallel_loop3A_355 = tpu.memref_slice %arg8[%parallel_loop3A_117, %parallel_loop3A_353, %parallel_loop3A_354] : memref<4x104x64xf32, #tpu.memory_space<vmem>> -> memref<1x104x64xf32, #tpu.memory_space<vmem>>
      %parallel_loop3A_356 = tpu.memref_squeeze %parallel_loop3A_355 : memref<1x104x64xf32, #tpu.memory_space<vmem>> -> memref<104x64xf32, #tpu.memory_space<vmem>>
      %parallel_loop3A_357 = arith.index_cast %parallel_loop3A_324 : i32 to index
      %parallel_loop3A_358 = arith.constant 48 : index
      %parallel_loop3A_359 = tpu.vector_load %parallel_loop3A_356[%parallel_loop3A_357, %parallel_loop3A_358] {strides = array<i32>} : memref<104x64xf32, #tpu.memory_space<vmem>>, vector<16xf32>,
      %parallel_loop3A_360 = arith.addf %parallel_loop3A_328, %parallel_loop3A_359 : vector<16xf32>
      scf.yield %parallel_loop3A_336, %parallel_loop3A_344, %parallel_loop3A_352, %parallel_loop3A_360 : vector<16xf32>, vector<16xf32>, vector<16xf32>, vector<16xf32>
    } {sc.loop_unroll_factor = 4 : i64, sc.parallel_access}
    %dma_wait3A_119 = arith.constant 0 : i32
    %dma_wait3A_120 = arith.constant 1 : i32
    %dma_wait3A_121 = arith.constant 1 : i32
    %dma_wait3A_122 = arith.constant 0 : i32
    %dma_wait3A_123 = arith.constant 0 : i32
    %dma_wait3A_124 = tpu.memref_slice %arg8[%dma_wait3A_120, %dma_wait3A_122, %dma_wait3A_123] : memref<4x104x64xf32, #tpu.memory_space<vmem>> -> memref<1x96x64xf32, #tpu.memory_space<vmem>>
    %dma_wait3A_125 = tpu.memref_squeeze %dma_wait3A_124 : memref<1x96x64xf32, #tpu.memory_space<vmem>> -> memref<96x64xf32, #tpu.memory_space<vmem>>
    %dma_wait3A_126 = arith.constant 0 : i32
    %dma_wait3A_127 = tpu.memref_slice %arg7[%dma_wait3A_119, %dma_wait3A_126] : memref<128x200xi32, #tpu.memory_space<vmem>> -> memref<1x96xi32, #tpu.memory_space<vmem>>
    %dma_wait3A_128 = tpu.memref_squeeze %dma_wait3A_127 : memref<1x96xi32, #tpu.memory_space<vmem>> -> memref<96xi32, #tpu.memory_space<vmem>>
    %dma_wait3A_129 = arith.constant 0 : i32
    %dma_wait3A_130 = arith.constant 0 : i32
    %dma_wait3A_131 = tpu.memref_slice %arg2[%dma_wait3A_129, %dma_wait3A_130] : memref<1000000x64xf32, #tpu.memory_space<hbm>> -> memref<1000000x64xf32, #tpu.memory_space<hbm>>
    %dma_wait3A_132 = tpu.memref_slice %arg12[%dma_wait3A_121] : memref<4x!tpu.dma_semaphore, #tpu.memory_space<semaphore_mem>> -> memref<1x!tpu.dma_semaphore, #tpu.memory_space<semaphore_mem>>
    %dma_wait3A_133 = tpu.memref_squeeze %dma_wait3A_132 : memref<1x!tpu.dma_semaphore, #tpu.memory_space<semaphore_mem>> -> memref<!tpu.dma_semaphore, #tpu.memory_space<semaphore_mem>>
    tpu.wait_indirect_dma semaphore(%dma_wait3A_133 : memref<!tpu.dma_semaphore, #tpu.memory_space<semaphore_mem>>) src(%dma_wait3A_131 : memref<1000000x64xf32, #tpu.memory_space<hbm>>) dst(%dma_wait3A_125 : memref<96x64xf32, #tpu.memory_space<vmem>>)
    %parallel_loop3A_134 = arith.constant 0 : i32
    %parallel_loop3A_135 = arith.constant 96 : i32
    %parallel_loop3A_136 = arith.constant 1 : i32
    %parallel_loop3A_137 = arith.constant 1 : i32
    %parallel_loop3A_138:4 = scf.for %parallel_loop3A_324 = %parallel_loop3A_134 to %parallel_loop3A_135 step %parallel_loop3A_136 iter_args(%parallel_loop3A_325 = %parallel_loop3A_118#0, %parallel_loop3A_326 = %parallel_loop3A_118#1, %parallel_loop3A_327 = %parallel_loop3A_118#2, %parallel_loop3A_328 = %parallel_loop3A_118#3) -> (vector<16xf32>, vector<16xf32>, vector<16xf32>, vector<16xf32>)  : i32 {
      %parallel_loop3A_329 = arith.constant 0 : i32
      %parallel_loop3A_330 = arith.constant 0 : i32
      %parallel_loop3A_331 = tpu.memref_slice %arg8[%parallel_loop3A_137, %parallel_loop3A_329, %parallel_loop3A_330] : memref<4x104x64xf32, #tpu.memory_space<vmem>> -> memref<1x104x64xf32, #tpu.memory_space<vmem>>
      %parallel_loop3A_332 = tpu.memref_squeeze %parallel_loop3A_331 : memref<1x104x64xf32, #tpu.memory_space<vmem>> -> memref<104x64xf32, #tpu.memory_space<vmem>>
      %parallel_loop3A_333 = arith.index_cast %parallel_loop3A_324 : i32 to index
      %parallel_loop3A_334 = arith.constant 0 : index
      %parallel_loop3A_335 = tpu.vector_load %parallel_loop3A_332[%parallel_loop3A_333, %parallel_loop3A_334] {strides = array<i32>} : memref<104x64xf32, #tpu.memory_space<vmem>>, vector<16xf32>,
      %parallel_loop3A_336 = arith.addf %parallel_loop3A_325, %parallel_loop3A_335 : vector<16xf32>
      %parallel_loop3A_337 = arith.constant 0 : i32
      %parallel_loop3A_338 = arith.constant 0 : i32
      %parallel_loop3A_339 = tpu.memref_slice %arg8[%parallel_loop3A_137, %parallel_loop3A_337, %parallel_loop3A_338] : memref<4x104x64xf32, #tpu.memory_space<vmem>> -> memref<1x104x64xf32, #tpu.memory_space<vmem>>
      %parallel_loop3A_340 = tpu.memref_squeeze %parallel_loop3A_339 : memref<1x104x64xf32, #tpu.memory_space<vmem>> -> memref<104x64xf32, #tpu.memory_space<vmem>>
      %parallel_loop3A_341 = arith.index_cast %parallel_loop3A_324 : i32 to index
      %parallel_loop3A_342 = arith.constant 16 : index
      %parallel_loop3A_343 = tpu.vector_load %parallel_loop3A_340[%parallel_loop3A_341, %parallel_loop3A_342] {strides = array<i32>} : memref<104x64xf32, #tpu.memory_space<vmem>>, vector<16xf32>,
      %parallel_loop3A_344 = arith.addf %parallel_loop3A_326, %parallel_loop3A_343 : vector<16xf32>
      %parallel_loop3A_345 = arith.constant 0 : i32
      %parallel_loop3A_346 = arith.constant 0 : i32
      %parallel_loop3A_347 = tpu.memref_slice %arg8[%parallel_loop3A_137, %parallel_loop3A_345, %parallel_loop3A_346] : memref<4x104x64xf32, #tpu.memory_space<vmem>> -> memref<1x104x64xf32, #tpu.memory_space<vmem>>
      %parallel_loop3A_348 = tpu.memref_squeeze %parallel_loop3A_347 : memref<1x104x64xf32, #tpu.memory_space<vmem>> -> memref<104x64xf32, #tpu.memory_space<vmem>>
      %parallel_loop3A_349 = arith.index_cast %parallel_loop3A_324 : i32 to index
      %parallel_loop3A_350 = arith.constant 32 : index
      %parallel_loop3A_351 = tpu.vector_load %parallel_loop3A_348[%parallel_loop3A_349, %parallel_loop3A_350] {strides = array<i32>} : memref<104x64xf32, #tpu.memory_space<vmem>>, vector<16xf32>,
      %parallel_loop3A_352 = arith.addf %parallel_loop3A_327, %parallel_loop3A_351 : vector<16xf32>
      %parallel_loop3A_353 = arith.constant 0 : i32
      %parallel_loop3A_354 = arith.constant 0 : i32
      %parallel_loop3A_355 = tpu.memref_slice %arg8[%parallel_loop3A_137, %parallel_loop3A_353, %parallel_loop3A_354] : memref<4x104x64xf32, #tpu.memory_space<vmem>> -> memref<1x104x64xf32, #tpu.memory_space<vmem>>
      %parallel_loop3A_356 = tpu.memref_squeeze %parallel_loop3A_355 : memref<1x104x64xf32, #tpu.memory_space<vmem>> -> memref<104x64xf32, #tpu.memory_space<vmem>>
      %parallel_loop3A_357 = arith.index_cast %parallel_loop3A_324 : i32 to index
      %parallel_loop3A_358 = arith.constant 48 : index
      %parallel_loop3A_359 = tpu.vector_load %parallel_loop3A_356[%parallel_loop3A_357, %parallel_loop3A_358] {strides = array<i32>} : memref<104x64xf32, #tpu.memory_space<vmem>>, vector<16xf32>,
      %parallel_loop3A_360 = arith.addf %parallel_loop3A_328, %parallel_loop3A_359 : vector<16xf32>
      scf.yield %parallel_loop3A_336, %parallel_loop3A_344, %parallel_loop3A_352, %parallel_loop3A_360 : vector<16xf32>, vector<16xf32>, vector<16xf32>, vector<16xf32>
    } {sc.loop_unroll_factor = 4 : i64, sc.parallel_access}
    %mul3A_139 = arith.mulf %parallel_loop3A_138#0, %get3A_8 : vector<16xf32>
    %reduce_sum3A = arith.constant true
    %reduce_sum3A_140 = vector.broadcast %reduce_sum3A : i1 to vector<16xi1>
    %reduce_sum3A_141 = tpu.scan <sum>, %mul3A_139 masked %reduce_sum3A_140 : vector<16xf32>, vector<16xi1> -> vector<16xf32>
    %reduce_sum3A_142 = vector.extract %reduce_sum3A_141[15] : f32 from vector<16xf32>
    %add3A_143 = arith.constant 0.000000e+00 : f32
    %add3A_144 = arith.addf %add3A_143, %reduce_sum3A_142 : f32
    %mul3A_145 = arith.mulf %parallel_loop3A_138#1, %get3A_12 : vector<16xf32>
    %reduce_sum3A_146 = arith.constant true
    %reduce_sum3A_147 = vector.broadcast %reduce_sum3A_146 : i1 to vector<16xi1>
    %reduce_sum3A_148 = tpu.scan <sum>, %mul3A_145 masked %reduce_sum3A_147 : vector<16xf32>, vector<16xi1> -> vector<16xf32>
    %reduce_sum3A_149 = vector.extract %reduce_sum3A_148[15] : f32 from vector<16xf32>
    %add3A_150 = arith.addf %add3A_144, %reduce_sum3A_149 : f32
    %mul3A_151 = arith.mulf %parallel_loop3A_138#2, %get3A_16 : vector<16xf32>
    %reduce_sum3A_152 = arith.constant true
    %reduce_sum3A_153 = vector.broadcast %reduce_sum3A_152 : i1 to vector<16xi1>
    %reduce_sum3A_154 = tpu.scan <sum>, %mul3A_151 masked %reduce_sum3A_153 : vector<16xf32>, vector<16xi1> -> vector<16xf32>
    %reduce_sum3A_155 = vector.extract %reduce_sum3A_154[15] : f32 from vector<16xf32>
    %add3A_156 = arith.addf %add3A_150, %reduce_sum3A_155 : f32
    %mul3A_157 = arith.mulf %parallel_loop3A_138#3, %get3A_20 : vector<16xf32>
    %reduce_sum3A_158 = arith.constant true
    %reduce_sum3A_159 = vector.broadcast %reduce_sum3A_158 : i1 to vector<16xi1>
    %reduce_sum3A_160 = tpu.scan <sum>, %mul3A_157 masked %reduce_sum3A_159 : vector<16xf32>, vector<16xi1> -> vector<16xf32>
    %reduce_sum3A_161 = vector.extract %reduce_sum3A_160[15] : f32 from vector<16xf32>
    %add3A_162 = arith.addf %add3A_156, %reduce_sum3A_161 : f32
    %eq3A = arith.constant 0 : i32
    %eq3A_163 = vector.broadcast %eq3A : i32 to vector<16xi32>
    %eq3A_164 = arith.cmpi eq, %iota3A, %eq3A_163 : vector<16xi32>
    %mul3A_165 = arith.constant 5.000000e-03 : f32
    %mul3A_166 = arith.mulf %add3A_162, %mul3A_165 : f32
    %jit3A = arith.constant 0.000000e+00 : f32
    %broadcast_in_dim3A_167 = vector.broadcast %mul3A_166 : f32 to vector<16xf32>
    %broadcast_in_dim3A_168 = vector.broadcast %jit3A : f32 to vector<16xf32>
    %select_n3A = arith.select %eq3A_164, %broadcast_in_dim3A_167, %broadcast_in_dim3A_168 : vector<16xi1>, vector<16xf32>
    %add3A_169 = arith.addf %get3A_4, %select_n3A : vector<16xf32>
    %mul3A_170 = arith.mulf %parallel_loop3A_138#0, %get3A_24 : vector<16xf32>
    %reduce_sum3A_171 = arith.constant true
    %reduce_sum3A_172 = vector.broadcast %reduce_sum3A_171 : i1 to vector<16xi1>
    %reduce_sum3A_173 = tpu.scan <sum>, %mul3A_170 masked %reduce_sum3A_172 : vector<16xf32>, vector<16xi1> -> vector<16xf32>
    %reduce_sum3A_174 = vector.extract %reduce_sum3A_173[15] : f32 from vector<16xf32>
    %add3A_175 = arith.constant 0.000000e+00 : f32
    %add3A_176 = arith.addf %add3A_175, %reduce_sum3A_174 : f32
    %mul3A_177 = arith.mulf %parallel_loop3A_138#1, %get3A_28 : vector<16xf32>
    %reduce_sum3A_178 = arith.constant true
    %reduce_sum3A_179 = vector.broadcast %reduce_sum3A_178 : i1 to vector<16xi1>
    %reduce_sum3A_180 = tpu.scan <sum>, %mul3A_177 masked %reduce_sum3A_179 : vector<16xf32>, vector<16xi1> -> vector<16xf32>
    %reduce_sum3A_181 = vector.extract %reduce_sum3A_180[15] : f32 from vector<16xf32>
    %add3A_182 = arith.addf %add3A_176, %reduce_sum3A_181 : f32
    %mul3A_183 = arith.mulf %parallel_loop3A_138#2, %get3A_32 : vector<16xf32>
    %reduce_sum3A_184 = arith.constant true
    %reduce_sum3A_185 = vector.broadcast %reduce_sum3A_184 : i1 to vector<16xi1>
    %reduce_sum3A_186 = tpu.scan <sum>, %mul3A_183 masked %reduce_sum3A_185 : vector<16xf32>, vector<16xi1> -> vector<16xf32>
    %reduce_sum3A_187 = vector.extract %reduce_sum3A_186[15] : f32 from vector<16xf32>
    %add3A_188 = arith.addf %add3A_182, %reduce_sum3A_187 : f32
    %mul3A_189 = arith.mulf %parallel_loop3A_138#3, %get3A_36 : vector<16xf32>
    %reduce_sum3A_190 = arith.constant true
    %reduce_sum3A_191 = vector.broadcast %reduce_sum3A_190 : i1 to vector<16xi1>
    %reduce_sum3A_192 = tpu.scan <sum>, %mul3A_189 masked %reduce_sum3A_191 : vector<16xf32>, vector<16xi1> -> vector<16xf32>
    %reduce_sum3A_193 = vector.extract %reduce_sum3A_192[15] : f32 from vector<16xf32>
    %add3A_194 = arith.addf %add3A_188, %reduce_sum3A_193 : f32
    %eq3A_195 = arith.constant 1 : i32
    %eq3A_196 = vector.broadcast %eq3A_195 : i32 to vector<16xi32>
    %eq3A_197 = arith.cmpi eq, %iota3A, %eq3A_196 : vector<16xi32>
    %mul3A_198 = arith.constant 5.000000e-03 : f32
    %mul3A_199 = arith.mulf %add3A_194, %mul3A_198 : f32
    %jit3A_200 = arith.constant 0.000000e+00 : f32
    %broadcast_in_dim3A_201 = vector.broadcast %mul3A_199 : f32 to vector<16xf32>
    %broadcast_in_dim3A_202 = vector.broadcast %jit3A_200 : f32 to vector<16xf32>
    %select_n3A_203 = arith.select %eq3A_197, %broadcast_in_dim3A_201, %broadcast_in_dim3A_202 : vector<16xi1>, vector<16xf32>
    %add3A_204 = arith.addf %add3A_169, %select_n3A_203 : vector<16xf32>
    %swap3A = arith.constant 126 : i32
    %swap3A_205 = arith.index_cast %swap3A : i32 to index
    %swap3A_206 = arith.constant 0 : index
    %swap3A_207 = tpu.vector_load %arg11[%swap3A_205, %swap3A_206] {strides = array<i32>} : memref<128x16xf32, #tpu.memory_space<vmem>>, vector<16xf32>,
    tpu.vector_store %arg11[%swap3A_205, %swap3A_206], %add3A_204 {strides = array<i32>} : memref<128x16xf32, #tpu.memory_space<vmem>>, vector<16xf32>,
    %dma_wait3A_208 = arith.constant 0 : i32
    %dma_wait3A_209 = arith.constant 2 : i32
    %dma_wait3A_210 = arith.constant 2 : i32
    %dma_wait3A_211 = arith.constant 0 : i32
    %dma_wait3A_212 = arith.constant 0 : i32
    %dma_wait3A_213 = tpu.memref_slice %arg8[%dma_wait3A_209, %dma_wait3A_211, %dma_wait3A_212] : memref<4x104x64xf32, #tpu.memory_space<vmem>> -> memref<1x104x64xf32, #tpu.memory_space<vmem>>
    %dma_wait3A_214 = tpu.memref_squeeze %dma_wait3A_213 : memref<1x104x64xf32, #tpu.memory_space<vmem>> -> memref<104x64xf32, #tpu.memory_space<vmem>>
    %dma_wait3A_215 = arith.constant 0 : i32
    %dma_wait3A_216 = tpu.memref_slice %arg7[%dma_wait3A_208, %dma_wait3A_215] : memref<128x200xi32, #tpu.memory_space<vmem>> -> memref<1x104xi32, #tpu.memory_space<vmem>>
    %dma_wait3A_217 = tpu.memref_squeeze %dma_wait3A_216 : memref<1x104xi32, #tpu.memory_space<vmem>> -> memref<104xi32, #tpu.memory_space<vmem>>
    %dma_wait3A_218 = arith.constant 0 : i32
    %dma_wait3A_219 = arith.constant 0 : i32
    %dma_wait3A_220 = tpu.memref_slice %arg2[%dma_wait3A_218, %dma_wait3A_219] : memref<1000000x64xf32, #tpu.memory_space<hbm>> -> memref<1000000x64xf32, #tpu.memory_space<hbm>>
    %dma_wait3A_221 = tpu.memref_slice %arg12[%dma_wait3A_210] : memref<4x!tpu.dma_semaphore, #tpu.memory_space<semaphore_mem>> -> memref<1x!tpu.dma_semaphore, #tpu.memory_space<semaphore_mem>>
    %dma_wait3A_222 = tpu.memref_squeeze %dma_wait3A_221 : memref<1x!tpu.dma_semaphore, #tpu.memory_space<semaphore_mem>> -> memref<!tpu.dma_semaphore, #tpu.memory_space<semaphore_mem>>
    tpu.wait_indirect_dma semaphore(%dma_wait3A_222 : memref<!tpu.dma_semaphore, #tpu.memory_space<semaphore_mem>>) src(%dma_wait3A_220 : memref<1000000x64xf32, #tpu.memory_space<hbm>>) dst(%dma_wait3A_214 : memref<104x64xf32, #tpu.memory_space<vmem>>)
    %parallel_loop3A_223 = arith.constant 0 : i32
    %parallel_loop3A_224 = arith.constant 104 : i32
    %parallel_loop3A_225 = arith.constant 1 : i32
    %parallel_loop3A_226 = arith.constant 2 : i32
    %parallel_loop3A_227:4 = scf.for %parallel_loop3A_324 = %parallel_loop3A_223 to %parallel_loop3A_224 step %parallel_loop3A_225 iter_args(%parallel_loop3A_325 = %broadcast_in_dim3A_3, %parallel_loop3A_326 = %broadcast_in_dim3A_3, %parallel_loop3A_327 = %broadcast_in_dim3A_3, %parallel_loop3A_328 = %broadcast_in_dim3A_3) -> (vector<16xf32>, vector<16xf32>, vector<16xf32>, vector<16xf32>)  : i32 {
      %parallel_loop3A_329 = arith.constant 0 : i32
      %parallel_loop3A_330 = arith.constant 0 : i32
      %parallel_loop3A_331 = tpu.memref_slice %arg8[%parallel_loop3A_226, %parallel_loop3A_329, %parallel_loop3A_330] : memref<4x104x64xf32, #tpu.memory_space<vmem>> -> memref<1x104x64xf32, #tpu.memory_space<vmem>>
      %parallel_loop3A_332 = tpu.memref_squeeze %parallel_loop3A_331 : memref<1x104x64xf32, #tpu.memory_space<vmem>> -> memref<104x64xf32, #tpu.memory_space<vmem>>
      %parallel_loop3A_333 = arith.index_cast %parallel_loop3A_324 : i32 to index
      %parallel_loop3A_334 = arith.constant 0 : index
      %parallel_loop3A_335 = tpu.vector_load %parallel_loop3A_332[%parallel_loop3A_333, %parallel_loop3A_334] {strides = array<i32>} : memref<104x64xf32, #tpu.memory_space<vmem>>, vector<16xf32>,
      %parallel_loop3A_336 = arith.addf %parallel_loop3A_325, %parallel_loop3A_335 : vector<16xf32>
      %parallel_loop3A_337 = arith.constant 0 : i32
      %parallel_loop3A_338 = arith.constant 0 : i32
      %parallel_loop3A_339 = tpu.memref_slice %arg8[%parallel_loop3A_226, %parallel_loop3A_337, %parallel_loop3A_338] : memref<4x104x64xf32, #tpu.memory_space<vmem>> -> memref<1x104x64xf32, #tpu.memory_space<vmem>>
      %parallel_loop3A_340 = tpu.memref_squeeze %parallel_loop3A_339 : memref<1x104x64xf32, #tpu.memory_space<vmem>> -> memref<104x64xf32, #tpu.memory_space<vmem>>
      %parallel_loop3A_341 = arith.index_cast %parallel_loop3A_324 : i32 to index
      %parallel_loop3A_342 = arith.constant 16 : index
      %parallel_loop3A_343 = tpu.vector_load %parallel_loop3A_340[%parallel_loop3A_341, %parallel_loop3A_342] {strides = array<i32>} : memref<104x64xf32, #tpu.memory_space<vmem>>, vector<16xf32>,
      %parallel_loop3A_344 = arith.addf %parallel_loop3A_326, %parallel_loop3A_343 : vector<16xf32>
      %parallel_loop3A_345 = arith.constant 0 : i32
      %parallel_loop3A_346 = arith.constant 0 : i32
      %parallel_loop3A_347 = tpu.memref_slice %arg8[%parallel_loop3A_226, %parallel_loop3A_345, %parallel_loop3A_346] : memref<4x104x64xf32, #tpu.memory_space<vmem>> -> memref<1x104x64xf32, #tpu.memory_space<vmem>>
      %parallel_loop3A_348 = tpu.memref_squeeze %parallel_loop3A_347 : memref<1x104x64xf32, #tpu.memory_space<vmem>> -> memref<104x64xf32, #tpu.memory_space<vmem>>
      %parallel_loop3A_349 = arith.index_cast %parallel_loop3A_324 : i32 to index
      %parallel_loop3A_350 = arith.constant 32 : index
      %parallel_loop3A_351 = tpu.vector_load %parallel_loop3A_348[%parallel_loop3A_349, %parallel_loop3A_350] {strides = array<i32>} : memref<104x64xf32, #tpu.memory_space<vmem>>, vector<16xf32>,
      %parallel_loop3A_352 = arith.addf %parallel_loop3A_327, %parallel_loop3A_351 : vector<16xf32>
      %parallel_loop3A_353 = arith.constant 0 : i32
      %parallel_loop3A_354 = arith.constant 0 : i32
      %parallel_loop3A_355 = tpu.memref_slice %arg8[%parallel_loop3A_226, %parallel_loop3A_353, %parallel_loop3A_354] : memref<4x104x64xf32, #tpu.memory_space<vmem>> -> memref<1x104x64xf32, #tpu.memory_space<vmem>>
      %parallel_loop3A_356 = tpu.memref_squeeze %parallel_loop3A_355 : memref<1x104x64xf32, #tpu.memory_space<vmem>> -> memref<104x64xf32, #tpu.memory_space<vmem>>
      %parallel_loop3A_357 = arith.index_cast %parallel_loop3A_324 : i32 to index
      %parallel_loop3A_358 = arith.constant 48 : index
      %parallel_loop3A_359 = tpu.vector_load %parallel_loop3A_356[%parallel_loop3A_357, %parallel_loop3A_358] {strides = array<i32>} : memref<104x64xf32, #tpu.memory_space<vmem>>, vector<16xf32>,
      %parallel_loop3A_360 = arith.addf %parallel_loop3A_328, %parallel_loop3A_359 : vector<16xf32>
      scf.yield %parallel_loop3A_336, %parallel_loop3A_344, %parallel_loop3A_352, %parallel_loop3A_360 : vector<16xf32>, vector<16xf32>, vector<16xf32>, vector<16xf32>
    } {sc.loop_unroll_factor = 4 : i64, sc.parallel_access}
    %dma_wait3A_228 = arith.constant 0 : i32
    %dma_wait3A_229 = arith.constant 3 : i32
    %dma_wait3A_230 = arith.constant 3 : i32
    %dma_wait3A_231 = arith.constant 0 : i32
    %dma_wait3A_232 = arith.constant 0 : i32
    %dma_wait3A_233 = tpu.memref_slice %arg8[%dma_wait3A_229, %dma_wait3A_231, %dma_wait3A_232] : memref<4x104x64xf32, #tpu.memory_space<vmem>> -> memref<1x96x64xf32, #tpu.memory_space<vmem>>
    %dma_wait3A_234 = tpu.memref_squeeze %dma_wait3A_233 : memref<1x96x64xf32, #tpu.memory_space<vmem>> -> memref<96x64xf32, #tpu.memory_space<vmem>>
    %dma_wait3A_235 = arith.constant 0 : i32
    %dma_wait3A_236 = tpu.memref_slice %arg7[%dma_wait3A_228, %dma_wait3A_235] : memref<128x200xi32, #tpu.memory_space<vmem>> -> memref<1x96xi32, #tpu.memory_space<vmem>>
    %dma_wait3A_237 = tpu.memref_squeeze %dma_wait3A_236 : memref<1x96xi32, #tpu.memory_space<vmem>> -> memref<96xi32, #tpu.memory_space<vmem>>
    %dma_wait3A_238 = arith.constant 0 : i32
    %dma_wait3A_239 = arith.constant 0 : i32
    %dma_wait3A_240 = tpu.memref_slice %arg2[%dma_wait3A_238, %dma_wait3A_239] : memref<1000000x64xf32, #tpu.memory_space<hbm>> -> memref<1000000x64xf32, #tpu.memory_space<hbm>>
    %dma_wait3A_241 = tpu.memref_slice %arg12[%dma_wait3A_230] : memref<4x!tpu.dma_semaphore, #tpu.memory_space<semaphore_mem>> -> memref<1x!tpu.dma_semaphore, #tpu.memory_space<semaphore_mem>>
    %dma_wait3A_242 = tpu.memref_squeeze %dma_wait3A_241 : memref<1x!tpu.dma_semaphore, #tpu.memory_space<semaphore_mem>> -> memref<!tpu.dma_semaphore, #tpu.memory_space<semaphore_mem>>
    tpu.wait_indirect_dma semaphore(%dma_wait3A_242 : memref<!tpu.dma_semaphore, #tpu.memory_space<semaphore_mem>>) src(%dma_wait3A_240 : memref<1000000x64xf32, #tpu.memory_space<hbm>>) dst(%dma_wait3A_234 : memref<96x64xf32, #tpu.memory_space<vmem>>)
    %parallel_loop3A_243 = arith.constant 0 : i32
    %parallel_loop3A_244 = arith.constant 96 : i32
    %parallel_loop3A_245 = arith.constant 1 : i32
    %parallel_loop3A_246 = arith.constant 3 : i32
    %parallel_loop3A_247:4 = scf.for %parallel_loop3A_324 = %parallel_loop3A_243 to %parallel_loop3A_244 step %parallel_loop3A_245 iter_args(%parallel_loop3A_325 = %parallel_loop3A_227#0, %parallel_loop3A_326 = %parallel_loop3A_227#1, %parallel_loop3A_327 = %parallel_loop3A_227#2, %parallel_loop3A_328 = %parallel_loop3A_227#3) -> (vector<16xf32>, vector<16xf32>, vector<16xf32>, vector<16xf32>)  : i32 {
      %parallel_loop3A_329 = arith.constant 0 : i32
      %parallel_loop3A_330 = arith.constant 0 : i32
      %parallel_loop3A_331 = tpu.memref_slice %arg8[%parallel_loop3A_246, %parallel_loop3A_329, %parallel_loop3A_330] : memref<4x104x64xf32, #tpu.memory_space<vmem>> -> memref<1x104x64xf32, #tpu.memory_space<vmem>>
      %parallel_loop3A_332 = tpu.memref_squeeze %parallel_loop3A_331 : memref<1x104x64xf32, #tpu.memory_space<vmem>> -> memref<104x64xf32, #tpu.memory_space<vmem>>
      %parallel_loop3A_333 = arith.index_cast %parallel_loop3A_324 : i32 to index
      %parallel_loop3A_334 = arith.constant 0 : index
      %parallel_loop3A_335 = tpu.vector_load %parallel_loop3A_332[%parallel_loop3A_333, %parallel_loop3A_334] {strides = array<i32>} : memref<104x64xf32, #tpu.memory_space<vmem>>, vector<16xf32>,
      %parallel_loop3A_336 = arith.addf %parallel_loop3A_325, %parallel_loop3A_335 : vector<16xf32>
      %parallel_loop3A_337 = arith.constant 0 : i32
      %parallel_loop3A_338 = arith.constant 0 : i32
      %parallel_loop3A_339 = tpu.memref_slice %arg8[%parallel_loop3A_246, %parallel_loop3A_337, %parallel_loop3A_338] : memref<4x104x64xf32, #tpu.memory_space<vmem>> -> memref<1x104x64xf32, #tpu.memory_space<vmem>>
      %parallel_loop3A_340 = tpu.memref_squeeze %parallel_loop3A_339 : memref<1x104x64xf32, #tpu.memory_space<vmem>> -> memref<104x64xf32, #tpu.memory_space<vmem>>
      %parallel_loop3A_341 = arith.index_cast %parallel_loop3A_324 : i32 to index
      %parallel_loop3A_342 = arith.constant 16 : index
      %parallel_loop3A_343 = tpu.vector_load %parallel_loop3A_340[%parallel_loop3A_341, %parallel_loop3A_342] {strides = array<i32>} : memref<104x64xf32, #tpu.memory_space<vmem>>, vector<16xf32>,
      %parallel_loop3A_344 = arith.addf %parallel_loop3A_326, %parallel_loop3A_343 : vector<16xf32>
      %parallel_loop3A_345 = arith.constant 0 : i32
      %parallel_loop3A_346 = arith.constant 0 : i32
      %parallel_loop3A_347 = tpu.memref_slice %arg8[%parallel_loop3A_246, %parallel_loop3A_345, %parallel_loop3A_346] : memref<4x104x64xf32, #tpu.memory_space<vmem>> -> memref<1x104x64xf32, #tpu.memory_space<vmem>>
      %parallel_loop3A_348 = tpu.memref_squeeze %parallel_loop3A_347 : memref<1x104x64xf32, #tpu.memory_space<vmem>> -> memref<104x64xf32, #tpu.memory_space<vmem>>
      %parallel_loop3A_349 = arith.index_cast %parallel_loop3A_324 : i32 to index
      %parallel_loop3A_350 = arith.constant 32 : index
      %parallel_loop3A_351 = tpu.vector_load %parallel_loop3A_348[%parallel_loop3A_349, %parallel_loop3A_350] {strides = array<i32>} : memref<104x64xf32, #tpu.memory_space<vmem>>, vector<16xf32>,
      %parallel_loop3A_352 = arith.addf %parallel_loop3A_327, %parallel_loop3A_351 : vector<16xf32>
      %parallel_loop3A_353 = arith.constant 0 : i32
      %parallel_loop3A_354 = arith.constant 0 : i32
      %parallel_loop3A_355 = tpu.memref_slice %arg8[%parallel_loop3A_246, %parallel_loop3A_353, %parallel_loop3A_354] : memref<4x104x64xf32, #tpu.memory_space<vmem>> -> memref<1x104x64xf32, #tpu.memory_space<vmem>>
      %parallel_loop3A_356 = tpu.memref_squeeze %parallel_loop3A_355 : memref<1x104x64xf32, #tpu.memory_space<vmem>> -> memref<104x64xf32, #tpu.memory_space<vmem>>
      %parallel_loop3A_357 = arith.index_cast %parallel_loop3A_324 : i32 to index
      %parallel_loop3A_358 = arith.constant 48 : index
      %parallel_loop3A_359 = tpu.vector_load %parallel_loop3A_356[%parallel_loop3A_357, %parallel_loop3A_358] {strides = array<i32>} : memref<104x64xf32, #tpu.memory_space<vmem>>, vector<16xf32>,
      %parallel_loop3A_360 = arith.addf %parallel_loop3A_328, %parallel_loop3A_359 : vector<16xf32>
      scf.yield %parallel_loop3A_336, %parallel_loop3A_344, %parallel_loop3A_352, %parallel_loop3A_360 : vector<16xf32>, vector<16xf32>, vector<16xf32>, vector<16xf32>
    } {sc.loop_unroll_factor = 4 : i64, sc.parallel_access}
    %mul3A_248 = arith.mulf %parallel_loop3A_247#0, %get3A_8 : vector<16xf32>
    %reduce_sum3A_249 = arith.constant true
    %reduce_sum3A_250 = vector.broadcast %reduce_sum3A_249 : i1 to vector<16xi1>
    %reduce_sum3A_251 = tpu.scan <sum>, %mul3A_248 masked %reduce_sum3A_250 : vector<16xf32>, vector<16xi1> -> vector<16xf32>
    %reduce_sum3A_252 = vector.extract %reduce_sum3A_251[15] : f32 from vector<16xf32>
    %add3A_253 = arith.constant 0.000000e+00 : f32
    %add3A_254 = arith.addf %add3A_253, %reduce_sum3A_252 : f32
    %mul3A_255 = arith.mulf %parallel_loop3A_247#1, %get3A_12 : vector<16xf32>
    %reduce_sum3A_256 = arith.constant true
    %reduce_sum3A_257 = vector.broadcast %reduce_sum3A_256 : i1 to vector<16xi1>
    %reduce_sum3A_258 = tpu.scan <sum>, %mul3A_255 masked %reduce_sum3A_257 : vector<16xf32>, vector<16xi1> -> vector<16xf32>
    %reduce_sum3A_259 = vector.extract %reduce_sum3A_258[15] : f32 from vector<16xf32>
    %add3A_260 = arith.addf %add3A_254, %reduce_sum3A_259 : f32
    %mul3A_261 = arith.mulf %parallel_loop3A_247#2, %get3A_16 : vector<16xf32>
    %reduce_sum3A_262 = arith.constant true
    %reduce_sum3A_263 = vector.broadcast %reduce_sum3A_262 : i1 to vector<16xi1>
    %reduce_sum3A_264 = tpu.scan <sum>, %mul3A_261 masked %reduce_sum3A_263 : vector<16xf32>, vector<16xi1> -> vector<16xf32>
    %reduce_sum3A_265 = vector.extract %reduce_sum3A_264[15] : f32 from vector<16xf32>
    %add3A_266 = arith.addf %add3A_260, %reduce_sum3A_265 : f32
    %mul3A_267 = arith.mulf %parallel_loop3A_247#3, %get3A_20 : vector<16xf32>
    %reduce_sum3A_268 = arith.constant true
    %reduce_sum3A_269 = vector.broadcast %reduce_sum3A_268 : i1 to vector<16xi1>
    %reduce_sum3A_270 = tpu.scan <sum>, %mul3A_267 masked %reduce_sum3A_269 : vector<16xf32>, vector<16xi1> -> vector<16xf32>
    %reduce_sum3A_271 = vector.extract %reduce_sum3A_270[15] : f32 from vector<16xf32>
    %add3A_272 = arith.addf %add3A_266, %reduce_sum3A_271 : f32
    %eq3A_273 = arith.constant 0 : i32
    %eq3A_274 = vector.broadcast %eq3A_273 : i32 to vector<16xi32>
    %eq3A_275 = arith.cmpi eq, %iota3A, %eq3A_274 : vector<16xi32>
    %mul3A_276 = arith.constant 5.000000e-03 : f32
    %mul3A_277 = arith.mulf %add3A_272, %mul3A_276 : f32
    %jit3A_278 = arith.constant 0.000000e+00 : f32
    %broadcast_in_dim3A_279 = vector.broadcast %mul3A_277 : f32 to vector<16xf32>
    %broadcast_in_dim3A_280 = vector.broadcast %jit3A_278 : f32 to vector<16xf32>
    %select_n3A_281 = arith.select %eq3A_275, %broadcast_in_dim3A_279, %broadcast_in_dim3A_280 : vector<16xi1>, vector<16xf32>
    %add3A_282 = arith.addf %get3A_4, %select_n3A_281 : vector<16xf32>
    %mul3A_283 = arith.mulf %parallel_loop3A_247#0, %get3A_24 : vector<16xf32>
    %reduce_sum3A_284 = arith.constant true
    %reduce_sum3A_285 = vector.broadcast %reduce_sum3A_284 : i1 to vector<16xi1>
    %reduce_sum3A_286 = tpu.scan <sum>, %mul3A_283 masked %reduce_sum3A_285 : vector<16xf32>, vector<16xi1> -> vector<16xf32>
    %reduce_sum3A_287 = vector.extract %reduce_sum3A_286[15] : f32 from vector<16xf32>
    %add3A_288 = arith.constant 0.000000e+00 : f32
    %add3A_289 = arith.addf %add3A_288, %reduce_sum3A_287 : f32
    %mul3A_290 = arith.mulf %parallel_loop3A_247#1, %get3A_28 : vector<16xf32>
    %reduce_sum3A_291 = arith.constant true
    %reduce_sum3A_292 = vector.broadcast %reduce_sum3A_291 : i1 to vector<16xi1>
    %reduce_sum3A_293 = tpu.scan <sum>, %mul3A_290 masked %reduce_sum3A_292 : vector<16xf32>, vector<16xi1> -> vector<16xf32>
    %reduce_sum3A_294 = vector.extract %reduce_sum3A_293[15] : f32 from vector<16xf32>
    %add3A_295 = arith.addf %add3A_289, %reduce_sum3A_294 : f32
    %mul3A_296 = arith.mulf %parallel_loop3A_247#2, %get3A_32 : vector<16xf32>
    %reduce_sum3A_297 = arith.constant true
    %reduce_sum3A_298 = vector.broadcast %reduce_sum3A_297 : i1 to vector<16xi1>
    %reduce_sum3A_299 = tpu.scan <sum>, %mul3A_296 masked %reduce_sum3A_298 : vector<16xf32>, vector<16xi1> -> vector<16xf32>
    %reduce_sum3A_300 = vector.extract %reduce_sum3A_299[15] : f32 from vector<16xf32>
    %add3A_301 = arith.addf %add3A_295, %reduce_sum3A_300 : f32
    %mul3A_302 = arith.mulf %parallel_loop3A_247#3, %get3A_36 : vector<16xf32>
    %reduce_sum3A_303 = arith.constant true
    %reduce_sum3A_304 = vector.broadcast %reduce_sum3A_303 : i1 to vector<16xi1>
    %reduce_sum3A_305 = tpu.scan <sum>, %mul3A_302 masked %reduce_sum3A_304 : vector<16xf32>, vector<16xi1> -> vector<16xf32>
    %reduce_sum3A_306 = vector.extract %reduce_sum3A_305[15] : f32 from vector<16xf32>
    %add3A_307 = arith.addf %add3A_301, %reduce_sum3A_306 : f32
    %eq3A_308 = arith.constant 1 : i32
    %eq3A_309 = vector.broadcast %eq3A_308 : i32 to vector<16xi32>
    %eq3A_310 = arith.cmpi eq, %iota3A, %eq3A_309 : vector<16xi32>
    %mul3A_311 = arith.constant 5.000000e-03 : f32
    %mul3A_312 = arith.mulf %add3A_307, %mul3A_311 : f32
    %jit3A_313 = arith.constant 0.000000e+00 : f32
    %broadcast_in_dim3A_314 = vector.broadcast %mul3A_312 : f32 to vector<16xf32>
    %broadcast_in_dim3A_315 = vector.broadcast %jit3A_313 : f32 to vector<16xf32>
    %select_n3A_316 = arith.select %eq3A_310, %broadcast_in_dim3A_314, %broadcast_in_dim3A_315 : vector<16xi1>, vector<16xf32>
    %add3A_317 = arith.addf %add3A_282, %select_n3A_316 : vector<16xf32>
    %swap3A_318 = arith.constant 127 : i32
    %swap3A_319 = arith.index_cast %swap3A_318 : i32 to index
    %swap3A_320 = arith.constant 0 : index
    %swap3A_321 = tpu.vector_load %arg11[%swap3A_319, %swap3A_320] {strides = array<i32>} : memref<128x16xf32, #tpu.memory_space<vmem>>, vector<16xf32>,
    tpu.vector_store %arg11[%swap3A_319, %swap3A_320], %add3A_317 {strides = array<i32>} : memref<128x16xf32, #tpu.memory_space<vmem>>, vector<16xf32>,
    %mul3A_322 = arith.constant 128 : i32
    %mul3A_323 = arith.muli %add3A, %mul3A_322 : i32
    "tpu.region"() ({
      %run_scoped3A = tpu.sem_alloc : memref<!tpu.dma_semaphore, #tpu.memory_space<semaphore_mem>>
      %dma_start3A_324 = arith.constant 0 : i32
      %dma_start3A_325 = tpu.memref_slice %arg6[%mul3A_323, %dma_start3A_324] : memref<4096x16xf32, #tpu.memory_space<hbm>> -> memref<128x16xf32, #tpu.memory_space<hbm>>
      %dma_start3A_326 = arith.constant 0 : i32
      %dma_start3A_327 = tpu.memref_slice %arg6[%mul3A_323, %dma_start3A_326] : memref<4096x16xf32, #tpu.memory_space<hbm>> -> memref<128x16xf32, #tpu.memory_space<hbm>>
      tpu.enqueue_dma source(%arg11 : memref<128x16xf32, #tpu.memory_space<vmem>>) target(%dma_start3A_327 : memref<128x16xf32, #tpu.memory_space<hbm>>) target_semaphore(%run_scoped3A : memref<!tpu.dma_semaphore, #tpu.memory_space<semaphore_mem>>)
      %dma_wait3A_328 = arith.constant 0 : i32
      %dma_wait3A_329 = tpu.memref_slice %arg6[%mul3A_323, %dma_wait3A_328] : memref<4096x16xf32, #tpu.memory_space<hbm>> -> memref<128x16xf32, #tpu.memory_space<hbm>>
      %dma_wait3A_330 = arith.constant 0 : i32
      %dma_wait3A_331 = tpu.memref_slice %arg6[%mul3A_323, %dma_wait3A_330] : memref<4096x16xf32, #tpu.memory_space<hbm>> -> memref<128x16xf32, #tpu.memory_space<hbm>>
      tpu.wait_dma2 semaphore(%run_scoped3A : memref<!tpu.dma_semaphore, #tpu.memory_space<semaphore_mem>>) src(%arg11 : memref<128x16xf32, #tpu.memory_space<vmem>>) dst(%dma_wait3A_331 : memref<128x16xf32, #tpu.memory_space<hbm>>)
      tpu.yield
    }) : () -> ()
    return
  }
}

</mosaic_0001>

<sc_bundles>
// kernel: kernel.3.cloned.1.call-start
scs
__scs_entry_jumppad:
0x0: {  	(pc) =	sbr.rel $0x88, $3  }
0x1: {  	(tag) =	ssettag $0x0;
	lr =	simm.s32 $0x1  }
0x2: {  	[smem:$0x3F9D] =	sst lr;
	_ =	strace $0xD0000000  }
0x3: {  	_ = 	snop  }
0x4: {  	_ = 	snop  }
0x5: {  	_ = 	snop  }
0x6: {  	_ = 	snop  }
0x7: {  	_ = 	snop  }
__scs_overlays_trampoline_lowered:
0x8: {  	[smem:$0x3FAC] =	sst s0  }
0x9: {  	[smem:$0x3FAD] =	sst s1  }
0xa: {  	[smem:$0x3FAE] =	sst s2  }
0xb: {  	[smem:$0x3FAF] =	sst s3  }
0xc: {  	[smem:$0x3FB0] =	sst s4  }
0xd: {  	[smem:$0x3FB1] =	sst s5  }
0xe: {  	[smem:$0x3FB2] =	sst s6  }
0xf: {  	[smem:$0x3FB3] =	sst s7  }
0x10: {  	[smem:$0x3FB4] =	sst s8  }
0x11: {  	[smem:$0x3FB5] =	sst s9;
	s0 =	simm.s32 @!p0 $0x0  }
0x12: {  	s1 =	sld [smem:$0x3F9B];
	s0 =	simm.s32 @p0 $0x1  }
0x13: {  	[smem:$0x3FB6] =	sst s0;
	s0 =	simm.s32 @!p1 $0x0  }
0x14: {  	s2 =	sld [smem:$0x3F9A];
	s0 =	simm.s32 @p1 $0x1  }
0x15: {  	[smem:$0x3FB7] =	sst s0;
	s0 =	simm.s32 @!p2 $0x0  }
0x16: {  	s3 =	sld [smem:$0x3FDB];
	s0 =	simm.s32 @p2 $0x1  }
0x17: {  	s4 =	simm.s32 $0x1BF5;
	[smem:$0x3FB9] =	sst s0  }
0x18: {  	s0 =	sld [smem:$0x3F9C];
	_ =	swait.ge [sflag:s4], $0x0  }
0x19: {  	s7 =	sld [smem:$0x3F9D]  }
0x1a: {  	s8 =	sadd.s32 $0xFFFFE003, lr  }
0x1b: {  	s9 =	sadd.s32 $0xFFFFFEF7, lr;
	s5 =	simm.s32 $0xFFFFFFFF;
	p2 =	slt.u32 s8, $0xFFFFF086  }
0x1c: {  	p1 =	slt.u32 s9, $0xF7A;
	s5 =	simm.s32 @!p2 $0x0  }
0x1d: {  	s5 =	simm.s32 @p1 $0x1;
	p0 =	seq.s32 s7, s2  }
0x1e: {  	s7 =	smul.u32 @!p0 $0xF7A, s2;
	p2 =	seq.s32 @!p0 s5, $0x0  }
0x1f: {  	s9 =	smul.u32 $0xF7A, s1;
	s8 =	simm.s32 @!p0 $0x1BF5;
	p2 =	por !p2, p0  }
0x20: {  	[sflag:s8] =	ssyncset.s32 @!p0 $0xFFFFF086;
	s6 =	sadd.s32 @!p0 s3, s7;
	s7 =	simm.s32 @!p0 $0x108  }
0x21: {  	s3 =	sadd.s32 s3, s9;
	s6 =	sadd.s32 @!p0 $0x88, s6;
	s7 =	simm.s32 @p2 $0x1082  }
0x22: {  	[simem:s7], [sflag:s8] =	dma.local @!p0 [hbm:s6], $0xF7A  }
0x23: {  	s9 =	sor.u32 $0xD0000000, s2;
	s6 =	simm.s32 $0x108;
	_ =	swait.ge @!p0 [sflag:s8], $0x0  }
0x24: {  	s3 =	sadd.s32 $0x88, s3;
	s6 =	simm.s32 @!p1 $0x1082;
	[sflag:s4] =	ssyncset.s32 $0xFFFFF086  }
0x25: {  	[simem:s6], [sflag:s4] =	dma.local [hbm:s3], $0xF7A  }
0x26: {  	[smem:$0x3F9D] =	sst s1;
	(tag) =	ssettag s2;
	_ =	strace s9  }
0x27: {  	s1 =	sld [smem:$0x3FAD]  }
0x28: {  	s2 =	sld [smem:$0x3FAE]  }
0x29: {  	s4 =	sld [smem:$0x3FB0]  }
0x2a: {  	p0 =	seq.s32 s5, $0x0;
	s5 =	sld [smem:$0x3FB1]  }
0x2b: {  	s6 =	sld [smem:$0x3FB2]  }
0x2c: {  	s7 =	sld [smem:$0x3FB3]  }
0x2d: {  	s3 =	simm.s32 $0x108;
	s8 =	sld [smem:$0x3FB4]  }
0x2e: {  	s3 =	simm.s32 @!p0 $0x1082;
	s9 =	sld [smem:$0x3FB5]  }
0x2f: {  	lr =	sadd.s32 s0, s3;
	s0 =	sld [smem:$0x3FAC]  }
0x30: {  	s3 =	sld [smem:$0x3FAF]  }
0x31: {  	[smem:$0x3FB8] =	sst s10  }
0x32: {  	s10 =	sld [smem:$0x3FB6];
	_ =	sdelay $0x3  }
0x33: {  	p0 =	seq.s32 s10, $0x1;
	s10 =	sld [smem:$0x3FB8];
	_ =	sdelay $0x3  }
0x34: {  	[smem:$0x3FB8] =	sst s10  }
0x35: {  	s10 =	sld [smem:$0x3FB7];
	_ =	sdelay $0x3  }
0x36: {  	p1 =	seq.s32 s10, $0x1;
	s10 =	sld [smem:$0x3FB8];
	_ =	sdelay $0x3  }
0x37: {  	[smem:$0x3FB8] =	sst s10  }
0x38: {  	s10 =	sld [smem:$0x3FB9]  }
0x39: {  	_ = 	snop;
	(pc) =	sbr.ind lr, $3  }
0x3a: {  	_ = 	snop  }
0x3b: {  	_ = 	snop  }
0x3c: {  	p2 =	seq.s32 s10, $0x1;
	s10 =	sld [smem:$0x3FB8]  }
0x3d: {  	_ =	shalt  }
0x3e: {  	_ =	shalt  }
0x3f: {  	_ =	shalt  }
0x40: {  	_ =	shalt  }
0x41: {  	_ =	shalt  }
0x42: {  	_ =	shalt  }
0x43: {  	_ =	shalt  }
0x44: {  	_ =	shalt  }
0x45: {  	_ =	shalt  }
0x46: {  	_ =	shalt  }
0x47: {  	_ =	shalt  }
0x48: {  	_ =	shalt  }
0x49: {  	_ =	shalt  }
0x4a: {  	_ =	shalt  }
0x4b: {  	_ =	shalt  }
0x4c: {  	_ =	shalt  }
0x4d: {  	_ =	shalt  }
0x4e: {  	_ =	shalt  }
0x4f: {  	_ =	shalt  }
0x50: {  	_ =	shalt  }
0x51: {  	_ =	shalt  }
0x52: {  	_ =	shalt  }
0x53: {  	_ =	shalt  }
0x54: {  	_ =	shalt  }
0x55: {  	_ =	shalt  }
0x56: {  	_ =	shalt  }
0x57: {  	_ =	shalt  }
0x58: {  	_ =	shalt  }
0x59: {  	_ =	shalt  }
0x5a: {  	_ =	shalt  }
0x5b: {  	_ =	shalt  }
0x5c: {  	_ =	shalt  }
0x5d: {  	_ =	shalt  }
0x5e: {  	_ =	shalt  }
0x5f: {  	_ =	shalt  }
0x60: {  	_ =	shalt  }
0x61: {  	_ =	shalt  }
0x62: {  	_ =	shalt  }
0x63: {  	_ =	shalt  }
0x64: {  	_ =	shalt  }
0x65: {  	_ =	shalt  }
0x66: {  	_ =	shalt  }
0x67: {  	_ =	shalt  }
0x68: {  	_ =	shalt  }
0x69: {  	_ =	shalt  }
0x6a: {  	_ =	shalt  }
0x6b: {  	_ =	shalt  }
0x6c: {  	_ =	shalt  }
0x6d: {  	_ =	shalt  }
0x6e: {  	_ =	shalt  }
0x6f: {  	_ =	shalt  }
0x70: {  	_ =	shalt  }
0x71: {  	_ =	shalt  }
0x72: {  	_ =	shalt  }
0x73: {  	_ =	shalt  }
0x74: {  	_ =	shalt  }
0x75: {  	_ =	shalt  }
0x76: {  	_ =	shalt  }
0x77: {  	_ =	shalt  }
0x78: {  	_ =	shalt  }
0x79: {  	_ =	shalt  }
0x7a: {  	_ =	shalt  }
0x7b: {  	_ =	shalt  }
0x7c: {  	_ =	shalt  }
0x7d: {  	_ =	shalt  }
0x7e: {  	_ =	shalt  }
0x7f: {  	_ =	shalt  }
0x80: {  	_ =	shalt  }
0x81: {  	_ =	shalt  }
0x82: {  	_ =	shalt  }
0x83: {  	_ =	shalt  }
0x84: {  	_ =	shalt  }
0x85: {  	_ =	shalt  }
0x86: {  	_ =	shalt  }
0x87: {  	_ =	shalt  }
.Lfunc_end0:
.L_simem_size_0:
called_computation_lowered:
.L_overlay_start_0:
0x88: {  	s2 =	sld [smem:$0x3FD9]  }
0x89: {  	s3 =	sld [smem:$0x3FFE];
	_ =	sdelay $0x1  }
0x8a: {  	s1 =	srdreg.scid  }
0x8b: {  	s0 =	sand.u32 $0x1, s1  }
0x8c: {  	s17 =	sshll.u32 s0, $0xA;
	s2 =	sadd.s32 s3, s2  }
0x8d: {  	s2 =	sadd.s32 s2, s17  }
0x8e: {  	[smem:$0x3FC4] =	sst s2  }
0x8f: {  	_ = 	snop  }
0x90: {  	s2 =	sld [smem:$0x3FD0];
	(tm) =	ssettm $0x1  }
0x91: {  	s18 =	sld [smem:$0x3FFB];
	_ =	sdelay $0x3  }
0x92: {  	_ =	strace s18  }
0x93: {  	s3 =	sld [smem:$0x3FFC];
	_ =	sdelay $0x3  }
0x94: {  	_ =	strace s3  }
0x95: {  	s3 =	sld [smem:$0x3FFD];
	_ =	sdelay $0x3  }
0x96: {  	_ =	strace s3  }
0x97: {  	_ =	strace $0x8FFFFFFF  }
0x98: {  	s19 =	sld [smem:$0x3FDB];
	_ =	sdelay $0x1  }
0x99: {  	s4 =	simm.s32 $_scs_section_size  }
0x9a: {  	s5 =	simm.s32 $_size__tile_overlayer_lowered;
	s6 =	simm.s32 $_tile_overlayer_lowered  }
0x9b: {  	s22 =	simm.s32 $0x1BFF;
	s21 =	sshll.u32 s6, $0x1;
	s3 =	sadd.s32 s4, s19  }
0x9c: {  	s7 =	simm.s32 $0x0;
	s20 =	sshll.u32 s5, $0x1;
	s5 =	sadd.s32 s21, s3  }
0x9d: {  	[timem:s7], [sflag:s22] =	dma.local [hbm:s5], s20  }
0x9e: {  	_ =	swait.ge [sflag:s22], s20  }
0x9f: {  	s4 =	ssub.s32 $0x0, s20;
	[sflag:s22] =	ssyncset.done $0x0  }
0xa0: {  	[sflag:s22] =	ssyncadd.s32 s4;
	_ =	sdelay $0x1  }
0xa1: {  	s23 =	simm.s32 $0x1B8B  }
0xa2: {  	_ =	swait.ge [sflag:s23], $0x1  }
0xa3: {  	[sflag:s23] =	ssyncset.done $0x0  }
0xa4: {  	s25 =	simm.s32 $0x1B8E;
	s24 =	sld [smem:$0x3FFE];
	[sflag:s23] =	ssyncadd.s32 $0xFFFFFFFF  }
0xa5: {  	s26 =	simm.s32 $execute0_lowered;
	[smem:$0x3FD2] =	sst s25  }
0xa6: {  	s5 =	sshll.u32 s26, $0x1;
	_ =	strace $0x80000046;
	[dreg:$0x1] =	wrdreg $0xFFFFFFFF  }
0xa7: {  	s28 =	simm.s32 $_size_execute0_lowered;
	s3 =	sadd.s32 s3, s5;
	[dreg:$0x0] =	wrdreg $0x0  }
0xa8: {  	s5 =	sshll.u32 s28, $0x1;
	[dreg:$0x2] =	wrdreg s3  }
0xa9: {  	[dreg:$0x3] =	wrdreg s5  }
0xaa: {  	[dreg:$0x4] =	wrdreg $0xC0  }
0xab: {  	_ =	task [dreg:s7], $0x5FFFF  }
0xac: {  	[dreg:$0x1] =	wrdreg $0xFFFFFFFF  }
0xad: {  	[dreg:$0x0] =	wrdreg $0x60  }
0xae: {  	[dreg:$0x2] =	wrdreg s24  }
0xaf: {  	[dreg:$0x3] =	wrdreg s2  }
0xb0: {  	[dreg:$0x4] =	wrdreg $0x9  }
0xb1: {  	_ =	task.clear_ibuf [dreg:s7], $0x5FFFF;
	_ =	strace $0x90000046  }
0xb2: {  	s29 =	simm.s32 $0x9;
	_ =	strace $0x80000048  }
0xb3: {  	_ =	swait.ge [sflag:s29], $0x1  }
0xb4: {  	[sflag:s29] =	ssyncadd.s32 $0xFFFFFFFF  }
0xb5: {  	_ =	strace $0x90000048  }
0xb6: {  	_ =	sfence  }
0xb7: {  	s30 =	sld [smem:$0x0];
	_ =	sdelay $0x2  }
0xb8: {  	s31 =	sshll.u32 s1, $0xD;
	s1 =	sshrl.u32 s1, $0x2  }
0xb9: {  	s3 =	sand.u32 $0x4000, s31;
	s1 =	sadd.s32 s1, s30  }
0xba: {  	s0 =	sor.u32 s3, s0;
	s1 =	sshll.u32 s1, $0x11  }
0xbb: {  	s0 =	sor.u32 s1, s0  }
0xbc: {  	s0 =	sadd.s32 $0x8F2B, s0  }
0xbd: {  	[sflag:s0] =	ssyncadd.remote.s32 $0x1  }
0xbe: {  	_ =	sfence.sel $0xFFFF  }
0xbf: {  	[dreg:$0x0] =	wrdreg $0xFFFFFFFF;
	(pc) =	sbr.abs _section_cstart, $3  }
0xc0: {  	[dreg:$0x1] =	wrdreg $0xFFFFFFFF  }
0xc1: {  	_ =	task.clear_ibuf [dreg:s7], $0x2FFFF;
	_ =	strace $0x9FFFFFFF  }
0xc2: {  	(tm) =	ssettm $0x7FFFFFFF  }
0xc3: {  	_ =	shalt  }
tec
execute0_lowered:
.L_overlay_start_1:
0x0: {  	(tag) =	ssettag $0x1  }
0x1: {  	s1 =	srdreg.scid;
	s6 =	rddreg [dreg:$0x0]  }
0x2: {  	s0 =	stileid.u32;
	s2 =	rddreg [dreg:$0x1]  }
0x3: {  	s3 =	simm.s32 $0x0;
	s10 =	simm.s32 $0xCC00;
	s11 =	simm.s32 $0xCC80  }
0x4: {  	s12 =	simm.s32 $0x68;
	s13 =	simm.s32 $0x6400;
	s14 =	simm.s32 $0x60  }
0x5: {  	s15 =	simm.s32 $0x7E00;
	s16 =	simm.s32 $0xC8;
	s17 =	simm.s32 $0x9800  }
0x6: {  	s18 =	simm.s32 $0x130;
	s19 =	simm.s32 $0xB200;
	s20 =	simm.s32 $0x1  }
0x7: {  	s21 =	simm.s32 $0x2;
	s22 =	simm.s32 $0x3;
	s23 =	simm.s32 $0x4  }
0x8: {  	s24 =	simm.s32 $0xCC90;
	s25 =	simm.s32 $0x0;
	s5 =	sand.u32 $0x1, s1  }
0x9: {  	s4 =	sshll.u32 s0, $0x8;
	[smem:$0x7FF] =	sst s3;
	s7 =	sshll.u32 s5, $0x7  }
0xa: {  	_ =	strace $0x80000047;
	s9 =	ssub.s32 $0x2, s5;
	s7 =	sor.u32 s7, s4  }
0xb: {  	s5 =	sadd.s32 $0x19A00, s6;
	s8 =	smul.u32 $0x19, s7;
	s7 =	sshll.u32 s7, $0x1  }
0xc: {  	s4 =	sadd.s32 $0xF42E00, s6;
	s31 =	sshrl.u32 s9, $0x1;
	s7 =	sadd.s32 s7, s6  }
0xd: {  	s9 =	ssub.s32 s9, s31;
	s8 =	sadd.s32 s8, s6;
	s7 =	sadd.s32 $0x19C00, s7  }
0xe: {  	vm0 =	vcmask $0x300;
	vm1 =	vcmask $0x704;
	s6 =	sadd.s32 $0xA00, s8;
	s8 =	smax.u32 s9, $0x1;
	s9 =	simm.s32 $0x5  }
.LBB2_1:
0xf: {  	[tilespmem:s3], [sflag:$0x5] =	stream.linear.gather [hbm4b:s6+s3], $0x6400, $0x38;
	[tilespmem:$0xD490] =	vst v63  }
0x10: {  	_ =	swait.ge [sflag:s9], $0x6400  }
0x11: {  	[sflag:s9] =	ssyncset.done $0x0  }
0x12: {  	[sflag:s9] =	ssyncadd.s32 $0xFFFF9C00  }
0x13: {  	[tilespmem:s10], [sflag:$0x5] =	stream.linear.gather [hbm4b:s2+s3], $0x80, $0x38;
	[tilespmem:$0xD490] =	vst v63  }
0x14: {  	_ =	swait.ge [sflag:s9], $0x80  }
0x15: {  	[sflag:s9] =	ssyncset.done $0x0  }
0x16: {  	[sflag:s9] =	ssyncadd.s32 $0xFFFFFF80  }
0x17: {  	[tilespmem:s11], [sflag:$0x5] =	stream.linear.gather [hbm4b:s5+s3], $0x10, $0x38;
	[tilespmem:$0xD490] =	vst v63  }
0x18: {  	_ =	swait.ge [sflag:s9], $0x10  }
0x19: {  	[sflag:s9] =	ssyncset.done $0x0  }
0x1a: {  	[sflag:s9] =	ssyncadd.s32 $0xFFFFFFF0  }
0x1b: {  	v0 =	vld [tilespmem:$0xCC80]  }
0x1c: {  	v8 =	vld [tilespmem:$0xCC00]  }
0x1d: {  	v7 =	vld [tilespmem:$0xCC10]  }
0x1e: {  	v6 =	vld [tilespmem:$0xCC20]  }
0x1f: {  	v5 =	vld [tilespmem:$0xCC30]  }
0x20: {  	v4 =	vld [tilespmem:$0xCC40]  }
0x21: {  	v3 =	vld [tilespmem:$0xCC50]  }
0x22: {  	v2 =	vld [tilespmem:$0xCC60]  }
0x23: {  	v1 =	vld [tilespmem:$0xCC70];
	[tilespmem:s13], [sflag:$0x1] =	stream.indirect.gather [hbm4b:s4+s12], $0x40, s3, s12, $0xb8  }
0x24: {  	_ = 	snop  }
0x25: {  	[tilespmem:s15], [sflag:$0x2] =	stream.indirect.gather [hbm4b:s4+s14], $0x40, s12, s14, $0xb8;
	[tilespmem:$0xD490] =	vst v63  }
0x26: {  	_ = 	snop  }
0x27: {  	[tilespmem:s17], [sflag:$0x3] =	stream.indirect.gather [hbm4b:s4+s12], $0x40, s16, s12, $0xb8;
	[tilespmem:$0xD490] =	vst v63  }
0x28: {  	s26 =	simm.s32 $0x0  }
0x29: {  	[tilespmem:s19], [sflag:$0x4] =	stream.indirect.gather [hbm4b:s4+s14], $0x40, s18, s14, $0xb8;
	[tilespmem:$0xD490] =	vst v63  }
.LBB2_2:
0x2a: {  	_ =	swait.ge [sflag:s20], $0x1A00  }
0x2b: {  	[sflag:s20] =	ssyncset.done $0x0  }
0x2c: {  	s29 =	simm.s32 $0x6480;
	[sflag:s20] =	ssyncadd.s32 $0xFFFFE600  }
0x2d: {  	v9 =	vld [tilespmem:s29+$0x40]  }
0x2e: {  	v10 =	vld [tilespmem:s29+$0x50]  }
0x2f: {  	v11 =	vld [tilespmem:s29+$0x0]  }
0x30: {  	v12 =	vld [tilespmem:s29+$0x10]  }
0x31: {  	v13 =	vld [tilespmem:s29+$0xFFFFFFC0]  }
0x32: {  	v14 =	vld [tilespmem:s29+$0xFFFFFFD0]  }
0x33: {  	v15 =	vld [tilespmem:s29+$0xFFFFFF80]  }
0x34: {  	v16 =	vld [tilespmem:s29+$0xFFFFFF90]  }
0x35: {  	v18 =	vld [tilespmem:s29+$0xFFFFFFA0]  }
0x36: {  	v21 =	vld [tilespmem:s29+$0xFFFFFFB0]  }
0x37: {  	v20 =	vld [tilespmem:s29+$0xFFFFFFE0]  }
0x38: {  	v22 =	vld [tilespmem:s29+$0xFFFFFFF0]  }
0x39: {  	v24 =	vimm.f32 $0.0e+00;
	v17 =	vld [tilespmem:s29+$0x20]  }
0x3a: {  	v19 =	vld [tilespmem:s29+$0x30];
	v15 =	vadd.f32 v15, v24;
	v16 =	vadd.f32 v16, v24  }
0x3b: {  	v23 =	vadd.f32 v18, v24;
	v24 =	vadd.f32 v21, v24;
	v18 =	vld [tilespmem:s29+$0x60]  }
0x3c: {  	s28 =	simm.s32 $0x0;
	v21 =	vld [tilespmem:s29+$0x70];
	s29 =	simm.s32 $0x6580;
	v25 =	vadd.f32 v13, v15;
	v26 =	vadd.f32 v14, v16  }
.LBB2_3:
0x3d: {  	v13 =	vld [tilespmem:s29+$0x40];
	v14 =	vadd.f32 v20, v23;
	v15 =	vadd.f32 v22, v24  }
0x3e: {  	v16 =	vld [tilespmem:s29+$0x50];
	v20 =	vadd.f32 v11, v25;
	v22 =	vadd.f32 v12, v26  }
0x3f: {  	v11 =	vld [tilespmem:s29+$0x0];
	v14 =	vadd.f32 v17, v14;
	v15 =	vadd.f32 v19, v15  }
0x40: {  	v12 =	vld [tilespmem:s29+$0x10];
	v19 =	vadd.f32 v9, v20;
	v23 =	vadd.f32 v10, v22  }
0x41: {  	v25 =	vld [tilespmem:s29+$0xFFFFFFC0];
	v14 =	vadd.f32 v18, v14;
	v15 =	vadd.f32 v21, v15  }
0x42: {  	v21 =	vld [tilespmem:s29+$0xFFFFFFD0];
	v9 =	vmov v13  }
0x43: {  	v13 =	vld [tilespmem:s29+$0xFFFFFF80];
	v10 =	vmov v16  }
0x44: {  	v16 =	vld [tilespmem:s29+$0xFFFFFF90]  }
0x45: {  	v18 =	vld [tilespmem:s29+$0xFFFFFFA0]  }
0x46: {  	s28 =	sadd.s32 $0x4, s28;
	v24 =	vld [tilespmem:s29+$0xFFFFFFB0]  }
0x47: {  	p0 =	slt.u32 s28, $0x64;
	v20 =	vld [tilespmem:s29+$0xFFFFFFE0]  }
.Ltmp0:
0x48: {  	v22 =	vld [tilespmem:s29+$0xFFFFFFF0];
	(pc) =	sbr.rel @p0 .LBB2_3-.Ltmp0, $4  }
0x49: {  	v17 =	vld [tilespmem:s29+$0x20]  }
0x4a: {  	v13 =	vadd.f32 v13, v19;
	v16 =	vadd.f32 v16, v23;
	v19 =	vld [tilespmem:s29+$0x30]  }
0x4b: {  	v23 =	vadd.f32 v18, v14;
	v24 =	vadd.f32 v24, v15;
	v18 =	vld [tilespmem:s29+$0x60]  }
0x4c: {  	v25 =	vadd.f32 v25, v13;
	v26 =	vadd.f32 v21, v16;
	v21 =	vld [tilespmem:s29+$0x70];
	s29 =	sadd.s32 $0x100, s29  }
0x4d: {  	s28 =	smul.u32 $0x640, s26;
	_ =	sdelay $0x1  }
0x4e: {  	s28 =	sadd.s32 $0x640, s28  }
0x4f: {  	s28 =	sshra.s32 s28, $0x2  }
0x50: {  	[tilespmem:s13], [sflag:$0x1] =	stream.indirect.gather [hbm4b:s4+s12], $0x40, s28, s12, $0xb8;
	[tilespmem:$0xD490] =	vst v63  }
0x51: {  	_ =	swait.ge [sflag:s21], $0x1800  }
0x52: {  	[sflag:s21] =	ssyncset.done $0x0  }
0x53: {  	s31 =	simm.s32 $0x7EF0;
	[sflag:s21] =	ssyncadd.s32 $0xFFFFE800  }
0x54: {  	v13 =	vld [tilespmem:s31+$0xFFFFFFD0]  }
0x55: {  	v14 =	vld [tilespmem:s31+$0xFFFFFFE0]  }
0x56: {  	v15 =	vld [tilespmem:s31+$0xFFFFFF90]  }
0x57: {  	v16 =	vld [tilespmem:s31+$0xFFFFFFA0]  }
0x58: {  	v27 =	vld [tilespmem:s31+$0xFFFFFF50]  }
0x59: {  	v28 =	vld [tilespmem:s31+$0xFFFFFF60]  }
0x5a: {  	v29 =	vld [tilespmem:s31+$0xFFFFFF10]  }
0x5b: {  	v30 =	vld [tilespmem:s31+$0xFFFFFF20]  }
0x5c: {  	v20 =	vadd.f32 v20, v23;
	v22 =	vadd.f32 v22, v24;
	v23 =	vld [tilespmem:s31+$0xFFFFFF30]  }
0x5d: {  	v61 =	vadd.f32 v11, v25;
	v12 =	vadd.f32 v12, v26;
	v62 =	vld [tilespmem:s31+$0xFFFFFF40]  }
0x5e: {  	v17 =	vadd.f32 v17, v20;
	v19 =	vadd.f32 v19, v22;
	v11 =	vld [tilespmem:s31+$0xFFFFFF70]  }
0x5f: {  	v20 =	vadd.f32 v9, v61;
	v10 =	vadd.f32 v10, v12;
	v12 =	vld [tilespmem:s31+$0xFFFFFF80]  }
0x60: {  	v18 =	vadd.f32 v18, v17;
	v19 =	vadd.f32 v21, v19;
	v9 =	vld [tilespmem:s31+$0xFFFFFFB0]  }
0x61: {  	v17 =	vld [tilespmem:s31+$0xFFFFFFC0];
	v21 =	vadd.f32 v29, v20;
	v63 =	vadd.f32 v30, v10  }
0x62: {  	v20 =	vadd.f32 v23, v18;
	v19 =	vadd.f32 v62, v19;
	v10 =	vld [tilespmem:s31+$0xFFFFFFF0]  }
0x63: {  	s29 =	sshll.u32 s26, $0x2;
	s30 =	simm.s32 $0x0;
	v18 =	vld [tilespmem:s31+$0x0];
	s31 =	simm.s32 $0x7FF0;
	v22 =	vadd.f32 v27, v21;
	v21 =	vadd.f32 v28, v63  }
.LBB2_5:
0x64: {  	v23 =	vld [tilespmem:s31+$0xFFFFFFD0];
	v11 =	vadd.f32 v11, v20;
	v12 =	vadd.f32 v12, v19  }
0x65: {  	v19 =	vld [tilespmem:s31+$0xFFFFFFE0];
	v20 =	vadd.f32 v15, v22;
	v21 =	vadd.f32 v16, v21  }
0x66: {  	v15 =	vld [tilespmem:s31+$0xFFFFFF90];
	v9 =	vadd.f32 v9, v11;
	v11 =	vadd.f32 v17, v12  }
0x67: {  	v16 =	vld [tilespmem:s31+$0xFFFFFFA0];
	v17 =	vadd.f32 v13, v20;
	v20 =	vadd.f32 v14, v21  }
0x68: {  	v21 =	vld [tilespmem:s31+$0xFFFFFF50];
	v10 =	vadd.f32 v10, v9;
	v18 =	vadd.f32 v18, v11  }
0x69: {  	v24 =	vld [tilespmem:s31+$0xFFFFFF60];
	v13 =	vmov v23  }
0x6a: {  	v22 =	vld [tilespmem:s31+$0xFFFFFF10];
	v14 =	vmov v19  }
0x6b: {  	v19 =	vld [tilespmem:s31+$0xFFFFFF20]  }
0x6c: {  	v23 =	vld [tilespmem:s31+$0xFFFFFF30]  }
0x6d: {  	s30 =	sadd.s32 $0x4, s30;
	v25 =	vld [tilespmem:s31+$0xFFFFFF40]  }
0x6e: {  	p0 =	slt.u32 s30, $0x5C;
	v11 =	vld [tilespmem:s31+$0xFFFFFF70]  }
.Ltmp1:
0x6f: {  	v12 =	vld [tilespmem:s31+$0xFFFFFF80];
	(pc) =	sbr.rel @p0 .LBB2_5-.Ltmp1, $4  }
0x70: {  	v9 =	vld [tilespmem:s31+$0xFFFFFFB0]  }
0x71: {  	v22 =	vadd.f32 v22, v17;
	v26 =	vadd.f32 v19, v20;
	v17 =	vld [tilespmem:s31+$0xFFFFFFC0]  }
0x72: {  	v20 =	vadd.f32 v23, v10;
	v19 =	vadd.f32 v25, v18;
	v10 =	vld [tilespmem:s31+$0xFFFFFFF0]  }
0x73: {  	v22 =	vadd.f32 v21, v22;
	v21 =	vadd.f32 v24, v26;
	v18 =	vld [tilespmem:s31+$0x0];
	s31 =	sadd.s32 $0x100, s31  }
0x74: {  	_ = 	snop  }
0x75: {  	v11 =	vadd.f32 v11, v20;
	v15 =	vadd.f32 v15, v22  }
0x76: {  	v12 =	vadd.f32 v12, v19;
	v16 =	vadd.f32 v16, v21  }
0x77: {  	v9 =	vadd.f32 v9, v11;
	v11 =	vadd.f32 v13, v15  }
0x78: {  	v12 =	vadd.f32 v17, v12;
	v13 =	vadd.f32 v14, v16  }
0x79: {  	v9 =	vadd.f32 v10, v9;
	v10 =	vmul.f32 v11, v8  }
0x7a: {  	v12 =	vadd.f32 v18, v12;
	v14 =	vmul.f32 v13, v7  }
0x7b: {  	(xrf2) =	vadd.scan.msk.f32 $0xffff, v10;
	v10 =	vmul.f32 v9, v6  }
0x7c: {  	(xrf2) =	vadd.scan.msk.f32 $0xffff, v14;
	v14 =	vmul.f32 v12, v5  }
0x7d: {  	(xrf2) =	vadd.scan.msk.f32 $0xffff, v10;
	v10 =	vmul.f32 v11, v4  }
0x7e: {  	(xrf2) =	vadd.scan.msk.f32 $0xffff, v14  }
0x7f: {  	(xrf2) =	vadd.scan.msk.f32 $0xffff, v10;
	v10 =	vmul.f32 v13, v3  }
0x80: {  	v9 =	vmul.f32 v9, v2  }
0x81: {  	(xrf2) =	vadd.scan.msk.f32 $0xffff, v10  }
0x82: {  	(xrf2) =	vadd.scan.msk.f32 $0xffff, v9;
	v9 =	vmul.f32 v12, v1;
	_ =	sdelay $0x2  }
0x83: {  	v10, _, _ =	vpop (xrf2);
	(xrf2) =	vadd.scan.msk.f32 $0xffff, v9  }
0x84: {  	v9, _, _ =	vpop (xrf2);
	(v2sf) =	vpush v10, $0xF  }
0x85: {  	v10, _, _ =	vpop (xrf2);
	(v2sf) =	vpush v9, $0xF  }
0x86: {  	v9, _, _ =	vpop (xrf2);
	(v2sf) =	vpush v10, $0xF  }
0x87: {  	v10, _, _ =	vpop (xrf2);
	(v2sf) =	vpush v9, $0xF  }
0x88: {  	(v2sf) =	vpush v10, $0xF  }
0x89: {  	v9, _, _ =	vpop (xrf2)  }
0x8a: {  	(v2sf) =	vpush v9, $0xF  }
0x8b: {  	v9, _, _ =	vpop (xrf2)  }
0x8c: {  	(v2sf) =	vpush v9, $0xF  }
0x8d: {  	v9, _, _ =	vpop (xrf2)  }
0x8e: {  	(v2sf) =	vpush v9, $0xF;
	_ =	sdelay $0x4  }
0x8f: {  	s30 =	spop (v2sf)  }
0x90: {  	s31 =	spop (v2sf)  }
0x91: {  	s30 =	sadd.f32 $0.0e+00, s30;
	s1 =	spop (v2sf)  }
0x92: {  	s0 =	spop (v2sf)  }
0x93: {  	s30 =	sadd.f32 s31, s30;
	s31 =	spop (v2sf)  }
0x94: {  	s31 =	sadd.f32 $0.0e+00, s31  }
0x95: {  	s1 =	sadd.f32 s1, s30;
	s30 =	spop (v2sf)  }
0x96: {  	s30 =	sadd.f32 s30, s31  }
0x97: {  	s0 =	sadd.f32 s0, s1;
	s1 =	spop (v2sf)  }
0x98: {  	s1 =	sadd.f32 s1, s30  }
0x99: {  	s30 =	spop (v2sf)  }
0x9a: {  	s0 =	smul.f32 $4.999999890e-03, s0;
	s1 =	sadd.f32 s30, s1  }
0x9b: {  	_ = 	snop  }
0x9c: {  	v9 =	vmov s0;
	s0 =	smul.f32 $4.999999890e-03, s1  }
0x9d: {  	v9 =	vnsel vm0, $0x0, v9  }
0x9e: {  	s1 =	sadd.s32 $0x68, s28;
	v9 =	vadd.f32 v9, v0;
	v10 =	vmov s0  }
0x9f: {  	[tilespmem:s15], [sflag:$0x2] =	stream.indirect.gather [hbm4b:s4+s14], $0x40, s1, s14, $0xb8;
	v10 =	vnsel vm1, $0x0, v10;
	[tilespmem:$0xD490] =	vst v63  }
0xa0: {  	s1 =	sshll.u32 s26, $0x5;
	v9 =	vadd.f32 v9, v10  }
0xa1: {  	s28 =	sand.u32 $0x3FFFFFE0, s1  }
0xa2: {  	[tilespmem:s28+$0xCC90] =	vst v9  }
0xa3: {  	_ =	swait.ge [sflag:s22], $0x1A00  }
0xa4: {  	[sflag:s22] =	ssyncset.done $0x0  }
0xa5: {  	s1 =	simm.s32 $0x98F0;
	[sflag:s22] =	ssyncadd.s32 $0xFFFFE600  }
0xa6: {  	v9 =	vld [tilespmem:s1+$0xFFFFFFD0]  }
0xa7: {  	v10 =	vld [tilespmem:s1+$0xFFFFFFE0]  }
0xa8: {  	v11 =	vld [tilespmem:s1+$0xFFFFFF90]  }
0xa9: {  	v12 =	vld [tilespmem:s1+$0xFFFFFFA0]  }
0xaa: {  	v13 =	vld [tilespmem:s1+$0xFFFFFF50]  }
0xab: {  	v14 =	vld [tilespmem:s1+$0xFFFFFF60]  }
0xac: {  	v15 =	vld [tilespmem:s1+$0xFFFFFF10]  }
0xad: {  	v16 =	vld [tilespmem:s1+$0xFFFFFF20]  }
0xae: {  	v18 =	vld [tilespmem:s1+$0xFFFFFF30]  }
0xaf: {  	v21 =	vld [tilespmem:s1+$0xFFFFFF40]  }
0xb0: {  	v20 =	vld [tilespmem:s1+$0xFFFFFF70]  }
0xb1: {  	v22 =	vld [tilespmem:s1+$0xFFFFFF80]  }
0xb2: {  	v24 =	vimm.f32 $0.0e+00;
	v17 =	vld [tilespmem:s1+$0xFFFFFFB0]  }
0xb3: {  	v19 =	vld [tilespmem:s1+$0xFFFFFFC0];
	v15 =	vadd.f32 v15, v24;
	v16 =	vadd.f32 v16, v24  }
0xb4: {  	v23 =	vadd.f32 v18, v24;
	v24 =	vadd.f32 v21, v24;
	v18 =	vld [tilespmem:s1+$0xFFFFFFF0]  }
0xb5: {  	s31 =	simm.s32 $0x99F0;
	s30 =	simm.s32 $0x0;
	v21 =	vld [tilespmem:s1+$0x0];
	v25 =	vadd.f32 v13, v15;
	v26 =	vadd.f32 v14, v16  }
.LBB2_7:
0xb6: {  	v13 =	vld [tilespmem:s31+$0xFFFFFFD0];
	v14 =	vadd.f32 v20, v23;
	v15 =	vadd.f32 v22, v24  }
0xb7: {  	v16 =	vld [tilespmem:s31+$0xFFFFFFE0];
	v20 =	vadd.f32 v11, v25;
	v22 =	vadd.f32 v12, v26  }
0xb8: {  	v11 =	vld [tilespmem:s31+$0xFFFFFF90];
	v14 =	vadd.f32 v17, v14;
	v15 =	vadd.f32 v19, v15  }
0xb9: {  	v12 =	vld [tilespmem:s31+$0xFFFFFFA0];
	v19 =	vadd.f32 v9, v20;
	v23 =	vadd.f32 v10, v22  }
0xba: {  	v25 =	vld [tilespmem:s31+$0xFFFFFF50];
	v14 =	vadd.f32 v18, v14;
	v15 =	vadd.f32 v21, v15  }
0xbb: {  	v21 =	vld [tilespmem:s31+$0xFFFFFF60];
	v9 =	vmov v13  }
0xbc: {  	v13 =	vld [tilespmem:s31+$0xFFFFFF10];
	v10 =	vmov v16  }
0xbd: {  	v16 =	vld [tilespmem:s31+$0xFFFFFF20]  }
0xbe: {  	v18 =	vld [tilespmem:s31+$0xFFFFFF30]  }
0xbf: {  	s30 =	sadd.s32 $0x4, s30;
	v24 =	vld [tilespmem:s31+$0xFFFFFF40]  }
0xc0: {  	p0 =	slt.u32 s30, $0x64;
	v20 =	vld [tilespmem:s31+$0xFFFFFF70]  }
.Ltmp2:
0xc1: {  	v22 =	vld [tilespmem:s31+$0xFFFFFF80];
	(pc) =	sbr.rel @p0 .LBB2_7-.Ltmp2, $4  }
0xc2: {  	v17 =	vld [tilespmem:s31+$0xFFFFFFB0]  }
0xc3: {  	v13 =	vadd.f32 v13, v19;
	v16 =	vadd.f32 v16, v23;
	v19 =	vld [tilespmem:s31+$0xFFFFFFC0]  }
0xc4: {  	v23 =	vadd.f32 v18, v14;
	v24 =	vadd.f32 v24, v15;
	v18 =	vld [tilespmem:s31+$0xFFFFFFF0]  }
0xc5: {  	v25 =	vadd.f32 v25, v13;
	v26 =	vadd.f32 v21, v16;
	v21 =	vld [tilespmem:s31+$0x0];
	s31 =	sadd.s32 $0x100, s31  }
0xc6: {  	s0 =	sadd.s32 $0x6, s29  }
0xc7: {  	s0 =	sshrl.u32 s0, $0x1  }
0xc8: {  	s0 =	smul.u32 $0x320, s0;
	_ =	sdelay $0x1  }
0xc9: {  	s29 =	sshra.s32 s0, $0x2  }
0xca: {  	[tilespmem:s17], [sflag:$0x3] =	stream.indirect.gather [hbm4b:s4+s12], $0x40, s29, s12, $0xb8;
	[tilespmem:$0xD490] =	vst v63  }
0xcb: {  	_ =	swait.ge [sflag:s23], $0x1800  }
0xcc: {  	[sflag:s23] =	ssyncset.done $0x0  }
0xcd: {  	s1 =	simm.s32 $0xB200;
	[sflag:s23] =	ssyncadd.s32 $0xFFFFE800  }
0xce: {  	v13 =	vld [tilespmem:s1+$0xC0]  }
0xcf: {  	v14 =	vld [tilespmem:s1+$0xD0]  }
0xd0: {  	v15 =	vld [tilespmem:s1+$0x80]  }
0xd1: {  	v16 =	vld [tilespmem:s1+$0x90]  }
0xd2: {  	v27 =	vld [tilespmem:s1+$0x40]  }
0xd3: {  	v28 =	vld [tilespmem:s1+$0x50]  }
0xd4: {  	v29 =	vld [tilespmem:s1+$0x0]  }
0xd5: {  	v30 =	vld [tilespmem:s1+$0x10]  }
0xd6: {  	v20 =	vadd.f32 v20, v23;
	v22 =	vadd.f32 v22, v24;
	v23 =	vld [tilespmem:s1+$0x20]  }
0xd7: {  	v61 =	vadd.f32 v11, v25;
	v12 =	vadd.f32 v12, v26;
	v62 =	vld [tilespmem:s1+$0x30]  }
0xd8: {  	v17 =	vadd.f32 v17, v20;
	v19 =	vadd.f32 v19, v22;
	v11 =	vld [tilespmem:s1+$0x60]  }
0xd9: {  	v20 =	vadd.f32 v9, v61;
	v10 =	vadd.f32 v10, v12;
	v12 =	vld [tilespmem:s1+$0x70]  }
0xda: {  	v18 =	vadd.f32 v18, v17;
	v19 =	vadd.f32 v21, v19;
	v9 =	vld [tilespmem:s1+$0xA0]  }
0xdb: {  	v17 =	vld [tilespmem:s1+$0xB0];
	v21 =	vadd.f32 v29, v20;
	v63 =	vadd.f32 v30, v10  }
0xdc: {  	v20 =	vadd.f32 v23, v18;
	v19 =	vadd.f32 v62, v19;
	v10 =	vld [tilespmem:s1+$0xE0]  }
0xdd: {  	s30 =	simm.s32 $0x0;
	s31 =	simm.s32 $0xB300;
	v18 =	vld [tilespmem:s1+$0xF0];
	v22 =	vadd.f32 v27, v21;
	v21 =	vadd.f32 v28, v63  }
.LBB2_9:
0xde: {  	v23 =	vld [tilespmem:s31+$0xC0];
	v11 =	vadd.f32 v11, v20;
	v12 =	vadd.f32 v12, v19  }
0xdf: {  	v19 =	vld [tilespmem:s31+$0xD0];
	v20 =	vadd.f32 v15, v22;
	v21 =	vadd.f32 v16, v21  }
0xe0: {  	v15 =	vld [tilespmem:s31+$0x80];
	v9 =	vadd.f32 v9, v11;
	v11 =	vadd.f32 v17, v12  }
0xe1: {  	v16 =	vld [tilespmem:s31+$0x90];
	v17 =	vadd.f32 v13, v20;
	v20 =	vadd.f32 v14, v21  }
0xe2: {  	v21 =	vld [tilespmem:s31+$0x40];
	v10 =	vadd.f32 v10, v9;
	v18 =	vadd.f32 v18, v11  }
0xe3: {  	v24 =	vld [tilespmem:s31+$0x50];
	v13 =	vmov v23  }
0xe4: {  	v22 =	vld [tilespmem:s31+$0x0];
	v14 =	vmov v19  }
0xe5: {  	v19 =	vld [tilespmem:s31+$0x10]  }
0xe6: {  	v23 =	vld [tilespmem:s31+$0x20]  }
0xe7: {  	s30 =	sadd.s32 $0x4, s30;
	v25 =	vld [tilespmem:s31+$0x30]  }
0xe8: {  	p0 =	slt.u32 s30, $0x5C;
	v11 =	vld [tilespmem:s31+$0x60]  }
.Ltmp3:
0xe9: {  	v12 =	vld [tilespmem:s31+$0x70];
	(pc) =	sbr.rel @p0 .LBB2_9-.Ltmp3, $4  }
0xea: {  	v9 =	vld [tilespmem:s31+$0xA0]  }
0xeb: {  	v22 =	vadd.f32 v22, v17;
	v26 =	vadd.f32 v19, v20;
	v17 =	vld [tilespmem:s31+$0xB0]  }
0xec: {  	v20 =	vadd.f32 v23, v10;
	v19 =	vadd.f32 v25, v18;
	v10 =	vld [tilespmem:s31+$0xE0]  }
0xed: {  	v22 =	vadd.f32 v21, v22;
	v21 =	vadd.f32 v24, v26;
	v18 =	vld [tilespmem:s31+$0xF0];
	s31 =	sadd.s32 $0x100, s31  }
0xee: {  	_ = 	snop  }
0xef: {  	v11 =	vadd.f32 v11, v20;
	v15 =	vadd.f32 v15, v22  }
0xf0: {  	v12 =	vadd.f32 v12, v19;
	v16 =	vadd.f32 v16, v21  }
0xf1: {  	v9 =	vadd.f32 v9, v11;
	v11 =	vadd.f32 v13, v15  }
0xf2: {  	v12 =	vadd.f32 v17, v12;
	v62 =	vadd.f32 v14, v16  }
0xf3: {  	v9 =	vadd.f32 v10, v9;
	v10 =	vmul.f32 v11, v8  }
0xf4: {  	v12 =	vadd.f32 v18, v12;
	v14 =	vmul.f32 v62, v7  }
0xf5: {  	(xrf2) =	vadd.scan.msk.f32 $0xffff, v10;
	v10 =	vmul.f32 v9, v6  }
0xf6: {  	v63 =	vmul.f32 v12, v5;
	(xrf2) =	vadd.scan.msk.f32 $0xffff, v14  }
0xf7: {  	(xrf2) =	vadd.scan.msk.f32 $0xffff, v10;
	v10 =	vmul.f32 v11, v4  }
0xf8: {  	(xrf2) =	vadd.scan.msk.f32 $0xffff, v63  }
0xf9: {  	(xrf2) =	vadd.scan.msk.f32 $0xffff, v10;
	v10 =	vmul.f32 v62, v3  }
0xfa: {  	v9 =	vmul.f32 v9, v2  }
0xfb: {  	(xrf2) =	vadd.scan.msk.f32 $0xffff, v10  }
0xfc: {  	(xrf2) =	vadd.scan.msk.f32 $0xffff, v9;
	v9 =	vmul.f32 v12, v1;
	_ =	sdelay $0x2  }
0xfd: {  	v10, _, _ =	vpop (xrf2);
	(xrf2) =	vadd.scan.msk.f32 $0xffff, v9  }
0xfe: {  	v9, _, _ =	vpop (xrf2);
	(v2sf) =	vpush v10, $0xF  }
0xff: {  	v10, _, _ =	vpop (xrf2);
	(v2sf) =	vpush v9, $0xF  }
0x100: {  	v9, _, _ =	vpop (xrf2);
	(v2sf) =	vpush v10, $0xF  }
0x101: {  	v10, _, _ =	vpop (xrf2);
	(v2sf) =	vpush v9, $0xF  }
0x102: {  	(v2sf) =	vpush v10, $0xF  }
0x103: {  	v9, _, _ =	vpop (xrf2)  }
0x104: {  	(v2sf) =	vpush v9, $0xF  }
0x105: {  	v9, _, _ =	vpop (xrf2)  }
0x106: {  	(v2sf) =	vpush v9, $0xF  }
0x107: {  	v9, _, _ =	vpop (xrf2)  }
0x108: {  	(v2sf) =	vpush v9, $0xF;
	_ =	sdelay $0x4  }
0x109: {  	s0 =	spop (v2sf)  }
0x10a: {  	s1 =	spop (v2sf)  }
0x10b: {  	s0 =	sadd.f32 $0.0e+00, s0;
	s30 =	spop (v2sf)  }
0x10c: {  	s31 =	spop (v2sf)  }
0x10d: {  	s0 =	sadd.f32 s1, s0;
	s1 =	spop (v2sf)  }
0x10e: {  	s1 =	sadd.f32 $0.0e+00, s1  }
0x10f: {  	s0 =	sadd.f32 s30, s0;
	s30 =	spop (v2sf)  }
0x110: {  	s1 =	sadd.f32 s30, s1  }
0x111: {  	s0 =	sadd.f32 s31, s0;
	s31 =	spop (v2sf)  }
0x112: {  	s1 =	sadd.f32 s31, s1  }
0x113: {  	s31 =	spop (v2sf)  }
0x114: {  	s0 =	smul.f32 $4.999999890e-03, s0;
	s1 =	sadd.f32 s31, s1  }
0x115: {  	_ = 	snop  }
0x116: {  	s26 =	sadd.s32 $0x1, s26;
	v9 =	vmov s0;
	s30 =	smul.f32 $4.999999890e-03, s1  }
0x117: {  	p0 =	sne.s32 s26, $0x3F;
	v9 =	vnsel vm0, $0x0, v9  }
.Ltmp4:
0x118: {  	v9 =	vadd.f32 v9, v0;
	v10 =	vmov s30;
	(pc) =	sbr.rel @p0 .LBB2_2-.Ltmp4, $4  }
0x119: {  	v10 =	vnsel vm1, $0x0, v10  }
0x11a: {  	s31 =	sadd.s32 $0x68, s29;
	v9 =	vadd.f32 v9, v10  }
0x11b: {  	[tilespmem:s19], [sflag:$0x4] =	stream.indirect.gather [hbm4b:s4+s14], $0x40, s31, s14, $0xb8;
	[tilespmem:$0xD490] =	vst v63  }
0x11c: {  	[tilespmem:s28+$0xCCA0] =	vst v9  }
0x11d: {  	_ =	swait.ge [sflag:s20], $0x1A00  }
0x11e: {  	[sflag:s20] =	ssyncset.done $0x0  }
0x11f: {  	s0 =	simm.s32 $0x6480;
	[sflag:s20] =	ssyncadd.s32 $0xFFFFE600  }
0x120: {  	v9 =	vld [tilespmem:s0+$0x40]  }
0x121: {  	v10 =	vld [tilespmem:s0+$0x50]  }
0x122: {  	v11 =	vld [tilespmem:s0+$0x0]  }
0x123: {  	v12 =	vld [tilespmem:s0+$0x10]  }
0x124: {  	v13 =	vld [tilespmem:s0+$0xFFFFFFC0]  }
0x125: {  	v14 =	vld [tilespmem:s0+$0xFFFFFFD0]  }
0x126: {  	v15 =	vld [tilespmem:s0+$0xFFFFFF80]  }
0x127: {  	v16 =	vld [tilespmem:s0+$0xFFFFFF90]  }
0x128: {  	v18 =	vld [tilespmem:s0+$0xFFFFFFA0]  }
0x129: {  	v21 =	vld [tilespmem:s0+$0xFFFFFFB0]  }
0x12a: {  	v20 =	vld [tilespmem:s0+$0xFFFFFFE0]  }
0x12b: {  	v22 =	vld [tilespmem:s0+$0xFFFFFFF0]  }
0x12c: {  	v24 =	vimm.f32 $0.0e+00;
	v17 =	vld [tilespmem:s0+$0x20]  }
0x12d: {  	v19 =	vld [tilespmem:s0+$0x30];
	v15 =	vadd.f32 v15, v24;
	v16 =	vadd.f32 v16, v24  }
0x12e: {  	v23 =	vadd.f32 v18, v24;
	v24 =	vadd.f32 v21, v24;
	v18 =	vld [tilespmem:s0+$0x60]  }
0x12f: {  	s26 =	simm.s32 $0x0;
	s28 =	simm.s32 $0x6580;
	v21 =	vld [tilespmem:s0+$0x70];
	v25 =	vadd.f32 v13, v15;
	v26 =	vadd.f32 v14, v16  }
.LBB2_12:
0x130: {  	v13 =	vld [tilespmem:s28+$0x40];
	v14 =	vadd.f32 v20, v23;
	v15 =	vadd.f32 v22, v24  }
0x131: {  	v16 =	vld [tilespmem:s28+$0x50];
	v20 =	vadd.f32 v11, v25;
	v22 =	vadd.f32 v12, v26  }
0x132: {  	v11 =	vld [tilespmem:s28+$0x0];
	v14 =	vadd.f32 v17, v14;
	v15 =	vadd.f32 v19, v15  }
0x133: {  	v12 =	vld [tilespmem:s28+$0x10];
	v19 =	vadd.f32 v9, v20;
	v23 =	vadd.f32 v10, v22  }
0x134: {  	v25 =	vld [tilespmem:s28+$0xFFFFFFC0];
	v14 =	vadd.f32 v18, v14;
	v15 =	vadd.f32 v21, v15  }
0x135: {  	v21 =	vld [tilespmem:s28+$0xFFFFFFD0];
	v9 =	vmov v13  }
0x136: {  	v13 =	vld [tilespmem:s28+$0xFFFFFF80];
	v10 =	vmov v16  }
0x137: {  	v16 =	vld [tilespmem:s28+$0xFFFFFF90]  }
0x138: {  	v18 =	vld [tilespmem:s28+$0xFFFFFFA0]  }
0x139: {  	s26 =	sadd.s32 $0x4, s26;
	v24 =	vld [tilespmem:s28+$0xFFFFFFB0]  }
0x13a: {  	p0 =	slt.u32 s26, $0x64;
	v20 =	vld [tilespmem:s28+$0xFFFFFFE0]  }
.Ltmp5:
0x13b: {  	v22 =	vld [tilespmem:s28+$0xFFFFFFF0];
	(pc) =	sbr.rel @p0 .LBB2_12-.Ltmp5, $4  }
0x13c: {  	v17 =	vld [tilespmem:s28+$0x20]  }
0x13d: {  	v13 =	vadd.f32 v13, v19;
	v16 =	vadd.f32 v16, v23;
	v19 =	vld [tilespmem:s28+$0x30]  }
0x13e: {  	v23 =	vadd.f32 v18, v14;
	v24 =	vadd.f32 v24, v15;
	v18 =	vld [tilespmem:s28+$0x60]  }
0x13f: {  	v25 =	vadd.f32 v25, v13;
	v26 =	vadd.f32 v21, v16;
	v21 =	vld [tilespmem:s28+$0x70];
	s28 =	sadd.s32 $0x100, s28  }
0x140: {  	_ =	swait.ge [sflag:s21], $0x1800  }
0x141: {  	[sflag:s21] =	ssyncset.done $0x0  }
0x142: {  	s0 =	simm.s32 $0x7EF0;
	[sflag:s21] =	ssyncadd.s32 $0xFFFFE800  }
0x143: {  	v13 =	vld [tilespmem:s0+$0xFFFFFFD0]  }
0x144: {  	v14 =	vld [tilespmem:s0+$0xFFFFFFE0]  }
0x145: {  	v15 =	vld [tilespmem:s0+$0xFFFFFF90]  }
0x146: {  	v16 =	vld [tilespmem:s0+$0xFFFFFFA0]  }
0x147: {  	v27 =	vld [tilespmem:s0+$0xFFFFFF50]  }
0x148: {  	v28 =	vld [tilespmem:s0+$0xFFFFFF60]  }
0x149: {  	v29 =	vld [tilespmem:s0+$0xFFFFFF10]  }
0x14a: {  	v30 =	vld [tilespmem:s0+$0xFFFFFF20]  }
0x14b: {  	v20 =	vadd.f32 v20, v23;
	v22 =	vadd.f32 v22, v24;
	v23 =	vld [tilespmem:s0+$0xFFFFFF30]  }
0x14c: {  	v61 =	vadd.f32 v11, v25;
	v12 =	vadd.f32 v12, v26;
	v62 =	vld [tilespmem:s0+$0xFFFFFF40]  }
0x14d: {  	v17 =	vadd.f32 v17, v20;
	v19 =	vadd.f32 v19, v22;
	v11 =	vld [tilespmem:s0+$0xFFFFFF70]  }
0x14e: {  	v20 =	vadd.f32 v9, v61;
	v10 =	vadd.f32 v10, v12;
	v12 =	vld [tilespmem:s0+$0xFFFFFF80]  }
0x14f: {  	v9 =	vld [tilespmem:s0+$0xFFFFFFB0];
	v18 =	vadd.f32 v18, v17;
	v19 =	vadd.f32 v21, v19  }
0x150: {  	v17 =	vld [tilespmem:s0+$0xFFFFFFC0];
	v21 =	vadd.f32 v29, v20;
	v63 =	vadd.f32 v30, v10  }
0x151: {  	v20 =	vadd.f32 v23, v18;
	v19 =	vadd.f32 v62, v19;
	v10 =	vld [tilespmem:s0+$0xFFFFFFF0]  }
0x152: {  	s26 =	simm.s32 $0x0;
	s28 =	simm.s32 $0x7FF0;
	v18 =	vld [tilespmem:s0+$0x0];
	v22 =	vadd.f32 v27, v21;
	v21 =	vadd.f32 v28, v63  }
.LBB2_14:
0x153: {  	v23 =	vld [tilespmem:s28+$0xFFFFFFD0];
	v11 =	vadd.f32 v11, v20;
	v12 =	vadd.f32 v12, v19  }
0x154: {  	v19 =	vld [tilespmem:s28+$0xFFFFFFE0];
	v20 =	vadd.f32 v15, v22;
	v21 =	vadd.f32 v16, v21  }
0x155: {  	v15 =	vld [tilespmem:s28+$0xFFFFFF90];
	v9 =	vadd.f32 v9, v11;
	v11 =	vadd.f32 v17, v12  }
0x156: {  	v16 =	vld [tilespmem:s28+$0xFFFFFFA0];
	v17 =	vadd.f32 v13, v20;
	v20 =	vadd.f32 v14, v21  }
0x157: {  	v21 =	vld [tilespmem:s28+$0xFFFFFF50];
	v10 =	vadd.f32 v10, v9;
	v18 =	vadd.f32 v18, v11  }
0x158: {  	v24 =	vld [tilespmem:s28+$0xFFFFFF60];
	v13 =	vmov v23  }
0x159: {  	v22 =	vld [tilespmem:s28+$0xFFFFFF10];
	v14 =	vmov v19  }
0x15a: {  	v19 =	vld [tilespmem:s28+$0xFFFFFF20]  }
0x15b: {  	v23 =	vld [tilespmem:s28+$0xFFFFFF30]  }
0x15c: {  	s26 =	sadd.s32 $0x4, s26;
	v25 =	vld [tilespmem:s28+$0xFFFFFF40]  }
0x15d: {  	p0 =	slt.u32 s26, $0x5C;
	v11 =	vld [tilespmem:s28+$0xFFFFFF70]  }
.Ltmp6:
0x15e: {  	v12 =	vld [tilespmem:s28+$0xFFFFFF80];
	(pc) =	sbr.rel @p0 .LBB2_14-.Ltmp6, $4  }
0x15f: {  	v9 =	vld [tilespmem:s28+$0xFFFFFFB0]  }
0x160: {  	v22 =	vadd.f32 v22, v17;
	v26 =	vadd.f32 v19, v20;
	v17 =	vld [tilespmem:s28+$0xFFFFFFC0]  }
0x161: {  	v20 =	vadd.f32 v23, v10;
	v19 =	vadd.f32 v25, v18;
	v10 =	vld [tilespmem:s28+$0xFFFFFFF0]  }
0x162: {  	v22 =	vadd.f32 v21, v22;
	v21 =	vadd.f32 v24, v26;
	v18 =	vld [tilespmem:s28+$0x0];
	s28 =	sadd.s32 $0x100, s28  }
0x163: {  	_ = 	snop  }
0x164: {  	v11 =	vadd.f32 v11, v20;
	v15 =	vadd.f32 v15, v22  }
0x165: {  	v12 =	vadd.f32 v12, v19;
	v16 =	vadd.f32 v16, v21  }
0x166: {  	v9 =	vadd.f32 v9, v11;
	v11 =	vadd.f32 v13, v15  }
0x167: {  	v12 =	vadd.f32 v17, v12;
	v13 =	vadd.f32 v14, v16  }
0x168: {  	v9 =	vadd.f32 v10, v9;
	v10 =	vmul.f32 v11, v8  }
0x169: {  	v12 =	vadd.f32 v18, v12;
	v14 =	vmul.f32 v13, v7  }
0x16a: {  	(xrf2) =	vadd.scan.msk.f32 $0xffff, v10;
	v10 =	vmul.f32 v9, v6  }
0x16b: {  	(xrf2) =	vadd.scan.msk.f32 $0xffff, v14;
	v14 =	vmul.f32 v12, v5  }
0x16c: {  	(xrf2) =	vadd.scan.msk.f32 $0xffff, v10;
	v10 =	vmul.f32 v11, v4  }
0x16d: {  	(xrf2) =	vadd.scan.msk.f32 $0xffff, v14  }
0x16e: {  	(xrf2) =	vadd.scan.msk.f32 $0xffff, v10;
	v10 =	vmul.f32 v13, v3  }
0x16f: {  	v9 =	vmul.f32 v9, v2  }
0x170: {  	(xrf2) =	vadd.scan.msk.f32 $0xffff, v10  }
0x171: {  	(xrf2) =	vadd.scan.msk.f32 $0xffff, v9;
	v9 =	vmul.f32 v12, v1;
	_ =	sdelay $0x2  }
0x172: {  	v10, _, _ =	vpop (xrf2);
	(xrf2) =	vadd.scan.msk.f32 $0xffff, v9  }
0x173: {  	v9, _, _ =	vpop (xrf2);
	(v2sf) =	vpush v10, $0xF  }
0x174: {  	v10, _, _ =	vpop (xrf2);
	(v2sf) =	vpush v9, $0xF  }
0x175: {  	v9, _, _ =	vpop (xrf2);
	(v2sf) =	vpush v10, $0xF  }
0x176: {  	v10, _, _ =	vpop (xrf2);
	(v2sf) =	vpush v9, $0xF  }
0x177: {  	(v2sf) =	vpush v10, $0xF  }
0x178: {  	v9, _, _ =	vpop (xrf2)  }
0x179: {  	(v2sf) =	vpush v9, $0xF  }
0x17a: {  	v9, _, _ =	vpop (xrf2)  }
0x17b: {  	(v2sf) =	vpush v9, $0xF  }
0x17c: {  	v9, _, _ =	vpop (xrf2)  }
0x17d: {  	(v2sf) =	vpush v9, $0xF;
	_ =	sdelay $0x4  }
0x17e: {  	s0 =	spop (v2sf)  }
0x17f: {  	s1 =	spop (v2sf)  }
0x180: {  	s0 =	sadd.f32 $0.0e+00, s0;
	s26 =	spop (v2sf)  }
0x181: {  	s28 =	spop (v2sf)  }
0x182: {  	s0 =	sadd.f32 s1, s0;
	s29 =	spop (v2sf)  }
0x183: {  	s1 =	sadd.f32 $0.0e+00, s29  }
0x184: {  	s0 =	sadd.f32 s26, s0;
	s30 =	spop (v2sf)  }
0x185: {  	s1 =	sadd.f32 s30, s1  }
0x186: {  	s0 =	sadd.f32 s28, s0;
	s31 =	spop (v2sf)  }
0x187: {  	s1 =	sadd.f32 s31, s1  }
0x188: {  	s29 =	spop (v2sf)  }
0x189: {  	s0 =	smul.f32 $4.999999890e-03, s0;
	s1 =	sadd.f32 s29, s1  }
0x18a: {  	_ = 	snop  }
0x18b: {  	v9 =	vmov s0;
	s30 =	smul.f32 $4.999999890e-03, s1  }
0x18c: {  	v9 =	vnsel vm0, $0x0, v9  }
0x18d: {  	v9 =	vadd.f32 v9, v0;
	v10 =	vmov s30  }
0x18e: {  	v10 =	vnsel vm1, $0x0, v10  }
0x18f: {  	v9 =	vadd.f32 v9, v10;
	_ =	sdelay $0x1  }
0x190: {  	[tilespmem:$0xD470] =	vst v9  }
0x191: {  	_ =	swait.ge [sflag:s22], $0x1A00  }
0x192: {  	[sflag:s22] =	ssyncset.done $0x0  }
0x193: {  	s31 =	simm.s32 $0x98F0;
	[sflag:s22] =	ssyncadd.s32 $0xFFFFE600  }
0x194: {  	v9 =	vld [tilespmem:s31+$0xFFFFFFD0]  }
0x195: {  	v10 =	vld [tilespmem:s31+$0xFFFFFFE0]  }
0x196: {  	v11 =	vld [tilespmem:s31+$0xFFFFFF90]  }
0x197: {  	v12 =	vld [tilespmem:s31+$0xFFFFFFA0]  }
0x198: {  	v13 =	vld [tilespmem:s31+$0xFFFFFF50]  }
0x199: {  	v14 =	vld [tilespmem:s31+$0xFFFFFF60]  }
0x19a: {  	v15 =	vld [tilespmem:s31+$0xFFFFFF10]  }
0x19b: {  	v16 =	vld [tilespmem:s31+$0xFFFFFF20]  }
0x19c: {  	v18 =	vld [tilespmem:s31+$0xFFFFFF30]  }
0x19d: {  	v21 =	vld [tilespmem:s31+$0xFFFFFF40]  }
0x19e: {  	v20 =	vld [tilespmem:s31+$0xFFFFFF70]  }
0x19f: {  	v22 =	vld [tilespmem:s31+$0xFFFFFF80]  }
0x1a0: {  	v24 =	vimm.f32 $0.0e+00;
	v17 =	vld [tilespmem:s31+$0xFFFFFFB0]  }
0x1a1: {  	v19 =	vld [tilespmem:s31+$0xFFFFFFC0];
	v15 =	vadd.f32 v15, v24;
	v16 =	vadd.f32 v16, v24  }
0x1a2: {  	v23 =	vadd.f32 v18, v24;
	v24 =	vadd.f32 v21, v24;
	v18 =	vld [tilespmem:s31+$0xFFFFFFF0]  }
0x1a3: {  	s26 =	simm.s32 $0x0;
	s28 =	simm.s32 $0x99F0;
	v21 =	vld [tilespmem:s31+$0x0];
	v25 =	vadd.f32 v13, v15;
	v26 =	vadd.f32 v14, v16  }
.LBB2_16:
0x1a4: {  	v13 =	vld [tilespmem:s28+$0xFFFFFFD0];
	v14 =	vadd.f32 v20, v23;
	v15 =	vadd.f32 v22, v24  }
0x1a5: {  	v16 =	vld [tilespmem:s28+$0xFFFFFFE0];
	v20 =	vadd.f32 v11, v25;
	v22 =	vadd.f32 v12, v26  }
0x1a6: {  	v11 =	vld [tilespmem:s28+$0xFFFFFF90];
	v14 =	vadd.f32 v17, v14;
	v15 =	vadd.f32 v19, v15  }
0x1a7: {  	v12 =	vld [tilespmem:s28+$0xFFFFFFA0];
	v19 =	vadd.f32 v9, v20;
	v23 =	vadd.f32 v10, v22  }
0x1a8: {  	v25 =	vld [tilespmem:s28+$0xFFFFFF50];
	v14 =	vadd.f32 v18, v14;
	v15 =	vadd.f32 v21, v15  }
0x1a9: {  	v21 =	vld [tilespmem:s28+$0xFFFFFF60];
	v9 =	vmov v13  }
0x1aa: {  	v13 =	vld [tilespmem:s28+$0xFFFFFF10];
	v10 =	vmov v16  }
0x1ab: {  	v16 =	vld [tilespmem:s28+$0xFFFFFF20]  }
0x1ac: {  	v18 =	vld [tilespmem:s28+$0xFFFFFF30]  }
0x1ad: {  	s26 =	sadd.s32 $0x4, s26;
	v24 =	vld [tilespmem:s28+$0xFFFFFF40]  }
0x1ae: {  	p0 =	slt.u32 s26, $0x64;
	v20 =	vld [tilespmem:s28+$0xFFFFFF70]  }
.Ltmp7:
0x1af: {  	v22 =	vld [tilespmem:s28+$0xFFFFFF80];
	(pc) =	sbr.rel @p0 .LBB2_16-.Ltmp7, $4  }
0x1b0: {  	v17 =	vld [tilespmem:s28+$0xFFFFFFB0]  }
0x1b1: {  	v13 =	vadd.f32 v13, v19;
	v16 =	vadd.f32 v16, v23;
	v19 =	vld [tilespmem:s28+$0xFFFFFFC0]  }
0x1b2: {  	v23 =	vadd.f32 v18, v14;
	v24 =	vadd.f32 v24, v15;
	v18 =	vld [tilespmem:s28+$0xFFFFFFF0]  }
0x1b3: {  	v25 =	vadd.f32 v25, v13;
	v26 =	vadd.f32 v21, v16;
	v21 =	vld [tilespmem:s28+$0x0];
	s28 =	sadd.s32 $0x100, s28  }
0x1b4: {  	_ =	swait.ge [sflag:s23], $0x1800  }
0x1b5: {  	[sflag:s23] =	ssyncset.done $0x0  }
0x1b6: {  	s0 =	simm.s32 $0xB200;
	[sflag:s23] =	ssyncadd.s32 $0xFFFFE800  }
0x1b7: {  	v13 =	vld [tilespmem:s0+$0xC0]  }
0x1b8: {  	v14 =	vld [tilespmem:s0+$0xD0]  }
0x1b9: {  	v15 =	vld [tilespmem:s0+$0x80]  }
0x1ba: {  	v16 =	vld [tilespmem:s0+$0x90]  }
0x1bb: {  	v27 =	vld [tilespmem:s0+$0x40]  }
0x1bc: {  	v28 =	vld [tilespmem:s0+$0x50]  }
0x1bd: {  	v29 =	vld [tilespmem:s0+$0x0]  }
0x1be: {  	v30 =	vld [tilespmem:s0+$0x10]  }
0x1bf: {  	v20 =	vadd.f32 v20, v23;
	v22 =	vadd.f32 v22, v24;
	v23 =	vld [tilespmem:s0+$0x20]  }
0x1c0: {  	v61 =	vadd.f32 v11, v25;
	v12 =	vadd.f32 v12, v26;
	v62 =	vld [tilespmem:s0+$0x30]  }
0x1c1: {  	v17 =	vadd.f32 v17, v20;
	v19 =	vadd.f32 v19, v22;
	v11 =	vld [tilespmem:s0+$0x60]  }
0x1c2: {  	v20 =	vadd.f32 v9, v61;
	v10 =	vadd.f32 v10, v12;
	v12 =	vld [tilespmem:s0+$0x70]  }
0x1c3: {  	v9 =	vld [tilespmem:s0+$0xA0];
	v18 =	vadd.f32 v18, v17;
	v19 =	vadd.f32 v21, v19  }
0x1c4: {  	v17 =	vld [tilespmem:s0+$0xB0];
	v21 =	vadd.f32 v29, v20;
	v63 =	vadd.f32 v30, v10  }
0x1c5: {  	v20 =	vadd.f32 v23, v18;
	v19 =	vadd.f32 v62, v19;
	v10 =	vld [tilespmem:s0+$0xE0]  }
0x1c6: {  	s26 =	simm.s32 $0x0;
	s28 =	simm.s32 $0xB300;
	v18 =	vld [tilespmem:s0+$0xF0];
	v22 =	vadd.f32 v27, v21;
	v21 =	vadd.f32 v28, v63  }
.LBB2_18:
0x1c7: {  	v23 =	vld [tilespmem:s28+$0xC0];
	v11 =	vadd.f32 v11, v20;
	v12 =	vadd.f32 v12, v19  }
0x1c8: {  	v19 =	vld [tilespmem:s28+$0xD0];
	v20 =	vadd.f32 v15, v22;
	v21 =	vadd.f32 v16, v21  }
0x1c9: {  	v15 =	vld [tilespmem:s28+$0x80];
	v9 =	vadd.f32 v9, v11;
	v11 =	vadd.f32 v17, v12  }
0x1ca: {  	v16 =	vld [tilespmem:s28+$0x90];
	v17 =	vadd.f32 v13, v20;
	v20 =	vadd.f32 v14, v21  }
0x1cb: {  	v21 =	vld [tilespmem:s28+$0x40];
	v10 =	vadd.f32 v10, v9;
	v18 =	vadd.f32 v18, v11  }
0x1cc: {  	v24 =	vld [tilespmem:s28+$0x50];
	v13 =	vmov v23  }
0x1cd: {  	v22 =	vld [tilespmem:s28+$0x0];
	v14 =	vmov v19  }
0x1ce: {  	v19 =	vld [tilespmem:s28+$0x10]  }
0x1cf: {  	v23 =	vld [tilespmem:s28+$0x20]  }
0x1d0: {  	s26 =	sadd.s32 $0x4, s26;
	v25 =	vld [tilespmem:s28+$0x30]  }
0x1d1: {  	p0 =	slt.u32 s26, $0x5C;
	v11 =	vld [tilespmem:s28+$0x60]  }
.Ltmp8:
0x1d2: {  	v12 =	vld [tilespmem:s28+$0x70];
	(pc) =	sbr.rel @p0 .LBB2_18-.Ltmp8, $4  }
0x1d3: {  	v9 =	vld [tilespmem:s28+$0xA0]  }
0x1d4: {  	v22 =	vadd.f32 v22, v17;
	v26 =	vadd.f32 v19, v20;
	v17 =	vld [tilespmem:s28+$0xB0]  }
0x1d5: {  	v20 =	vadd.f32 v23, v10;
	v19 =	vadd.f32 v25, v18;
	v10 =	vld [tilespmem:s28+$0xE0]  }
0x1d6: {  	v22 =	vadd.f32 v21, v22;
	v21 =	vadd.f32 v24, v26;
	v18 =	vld [tilespmem:s28+$0xF0];
	s28 =	sadd.s32 $0x100, s28  }
0x1d7: {  	_ = 	snop  }
0x1d8: {  	v11 =	vadd.f32 v11, v20;
	v15 =	vadd.f32 v15, v22  }
0x1d9: {  	v12 =	vadd.f32 v12, v19;
	v16 =	vadd.f32 v16, v21  }
0x1da: {  	v9 =	vadd.f32 v9, v11;
	v51 =	vadd.f32 v13, v15  }
0x1db: {  	v12 =	vadd.f32 v17, v12;
	v52 =	vadd.f32 v14, v16  }
0x1dc: {  	v9 =	vadd.f32 v10, v9;
	v8 =	vmul.f32 v51, v8  }
0x1dd: {  	v53 =	vadd.f32 v18, v12;
	v7 =	vmul.f32 v52, v7  }
0x1de: {  	v6 =	vmul.f32 v9, v6;
	(xrf2) =	vadd.scan.msk.f32 $0xffff, v8  }
0x1df: {  	v5 =	vmul.f32 v53, v5;
	(xrf2) =	vadd.scan.msk.f32 $0xffff, v7  }
0x1e0: {  	v4 =	vmul.f32 v51, v4;
	(xrf2) =	vadd.scan.msk.f32 $0xffff, v6  }
0x1e1: {  	(xrf2) =	vadd.scan.msk.f32 $0xffff, v5  }
0x1e2: {  	v3 =	vmul.f32 v52, v3;
	(xrf2) =	vadd.scan.msk.f32 $0xffff, v4;
	_ =	sdelay $0x1  }
0x1e3: {  	v2 =	vmul.f32 v9, v2;
	(xrf2) =	vadd.scan.msk.f32 $0xffff, v3;
	_ =	sdelay $0x1  }
0x1e4: {  	v1 =	vmul.f32 v53, v1;
	(xrf2) =	vadd.scan.msk.f32 $0xffff, v2;
	_ =	sdelay $0x1  }
0x1e5: {  	v54, _, _ =	vpop (xrf2);
	(xrf2) =	vadd.scan.msk.f32 $0xffff, v1  }
0x1e6: {  	v55, _, _ =	vpop (xrf2);
	(v2sf) =	vpush v54, $0xF  }
0x1e7: {  	v56, _, _ =	vpop (xrf2);
	(v2sf) =	vpush v55, $0xF  }
0x1e8: {  	v57, _, _ =	vpop (xrf2);
	(v2sf) =	vpush v56, $0xF  }
0x1e9: {  	v58, _, _ =	vpop (xrf2);
	(v2sf) =	vpush v57, $0xF  }
0x1ea: {  	(v2sf) =	vpush v58, $0xF  }
0x1eb: {  	v59, _, _ =	vpop (xrf2)  }
0x1ec: {  	(v2sf) =	vpush v59, $0xF  }
0x1ed: {  	v60, _, _ =	vpop (xrf2)  }
0x1ee: {  	(v2sf) =	vpush v60, $0xF  }
0x1ef: {  	v61, _, _ =	vpop (xrf2)  }
0x1f0: {  	(v2sf) =	vpush v61, $0xF;
	_ =	sdelay $0x4  }
0x1f1: {  	s0 =	spop (v2sf)  }
0x1f2: {  	s1 =	spop (v2sf)  }
0x1f3: {  	s0 =	sadd.f32 $0.0e+00, s0;
	s26 =	spop (v2sf)  }
0x1f4: {  	s28 =	spop (v2sf)  }
0x1f5: {  	s0 =	sadd.f32 s1, s0;
	s30 =	spop (v2sf)  }
0x1f6: {  	s1 =	sadd.f32 $0.0e+00, s30  }
0x1f7: {  	s0 =	sadd.f32 s26, s0;
	s31 =	spop (v2sf)  }
0x1f8: {  	s1 =	sadd.f32 s31, s1  }
0x1f9: {  	s29 =	spop (v2sf);
	s0 =	sadd.f32 s28, s0  }
0x1fa: {  	s1 =	sadd.f32 s29, s1  }
0x1fb: {  	s30 =	spop (v2sf)  }
0x1fc: {  	s0 =	smul.f32 $4.999999890e-03, s0;
	s1 =	sadd.f32 s30, s1  }
0x1fd: {  	_ = 	snop  }
0x1fe: {  	v62 =	vmov s0;
	s31 =	smul.f32 $4.999999890e-03, s1  }
0x1ff: {  	v1 =	vnsel vm0, $0x0, v62  }
0x200: {  	v0 =	vadd.f32 v1, v0;
	v63 =	vmov s31  }
0x201: {  	v1 =	vnsel vm1, $0x0, v63  }
0x202: {  	s25 =	sadd.s32 $0x1, s25;
	v0 =	vadd.f32 v0, v1  }
0x203: {  	p0 =	sne.s32 s25, s8  }
.Ltmp9:
0x204: {  	[tilespmem:$0xD480] =	vst v0;
	(pc) =	sbr.rel @p0 .LBB2_1-.Ltmp9, $4  }
0x205: {  	[hbm4b:s7+s3] =	stream.linear.scatter [tilespmem:s24], [sflag:$0x5], $0x800, $0x38;
	[tilespmem:$0xD490] =	vst v63  }
0x206: {  	_ =	swait.ge [sflag:s9], $0x800  }
0x207: {  	[sflag:s9] =	ssyncset.done $0x0  }
0x208: {  	[sflag:s9] =	ssyncadd.s32 $0xFFFFF800  }
0x209: {  	_ =	sfence.sel $0x180000  }
0x20a: {  	[bflag:$0x0] =	sbarrier.arrive $0xFFFF  }
0x20b: {  	_ =	strace $0x90000047  }
0x20c: {  	s0 =	stileid.u32;
	[bflag:$0x2] =	sbarrier.arrive $0xFFFF  }
0x20d: {  	p0 =	sne.s32 s0, $0x0;
	s0 =	rddreg [dreg:$0x2]  }
0x20e: {  	s0 =	sadd.s32 @!p0 $0x100000, s0  }
0x20f: {  	[sflag:s0] =	ssyncadd.tile.s32 @!p0 $0x1;
	_ =	shalt  }
.Lfunc_end2:
_tile_overlayer_lowered:
.L_overlay_start_2:
0x210: {  	(tag) =	ssettag $0x2  }
0x211: {  	s0 =	rddreg [dreg:$0x0];
	s2 =	stileid.u32  }
0x212: {  	s1 =	rddreg [dreg:$0x1];
	p0 =	sne.s32 s2, $0x0  }
0x213: {  	s3 =	rddreg [dreg:$0x2];
	[bflag:$0x3] =	sbarrier.arrive $0xFFFF;
	s2 =	simm.s32 @!p0 $0x1C05  }
0x214: {  	[timem:s3], [sflag:s2] =	dma.local @!p0 [hbm:s0], s1  }
0x215: {  	s0 =	simm.s32 @!p0 $0x5  }
0x216: {  	_ =	swait.ge @!p0 [sflag:s0], s1  }
0x217: {  	s1 =	ssub.s32 @!p0 $0x0, s1;
	[sflag:s0] =	ssyncset.done @!p0 $0x0  }
0x218: {  	[sflag:s0] =	ssyncadd.s32 @!p0 s1  }
0x219: {  	[bflag:$0x3] =	sbarrier.arrive $0xFFFF  }
0x21a: {  	_ =	shalt  }

</sc_bundles>
